<compile_context>
chip_gen: v7x
topology: tpu7x:2x2x1
jax: 0.10.2.dev20260603
libtpu: 0.0.44.dev20260713+nightly
codegen_flags: <defaults>
</compile_context>

<pallas_src>
import jax
import jax.numpy as jnp
from jax import lax
from jax.experimental import pallas as pl
from jax.experimental.pallas import tpu as pltpu
from jax.experimental.pallas import tpu_sc as plsc

N = 1024
B = 8
P = 32768
F = 16
HID = 64

NC = 2
NS = 16
NW = NC * NS
PPW = P // NW
CH = 128
NCH = PPW // CH


def _diag_body(nf_ref, ed_ref, w1a_ref, w1b_ref, b1_ref, w2_ref, b2_ref,
               ab_ref, wo1a_ref, wo1b_ref, out_ref, tab_ref):
    h = jnp.tanh(nf_ref[...] @ w1a_ref[...]
                 + ed_ref[...] * w1b_ref[...]
                 + b1_ref[...])
    out_ref[...] = (h @ w2_ref[...] + b2_ref[...]) * ab_ref[...]
    tab_ref[...] = jnp.concatenate(
        [nf_ref[...] @ wo1a_ref[...], nf_ref[...] @ wo1b_ref[...]], axis=1)


def _off_body(g_ref, er_ref, lane_ref, ew_ref, b1_ref, w2_ref, b2_ref,
              ob_ref, out_ref):
    li = lax.broadcasted_iota(jnp.int32, er_ref.shape, 1)
    onehot = (li == lane_ref[...]).astype(jnp.float32)
    e = jnp.sum(er_ref[...] * onehot, axis=1, keepdims=True)
    h = jnp.tanh(g_ref[...] + e * ew_ref[...] + b1_ref[...])
    out_ref[...] = (h @ w2_ref[...] + b2_ref[...]) * ob_ref[...]


def _base_body(dg_ref, out_ref):
    s = pl.program_id(0)
    tall = dg_ref[...]
    bi = lax.broadcasted_iota(jnp.int32, (B, 128), 0)
    ci = lax.broadcasted_iota(jnp.int32, (B, 128), 1)
    rep = ((ci % B) == bi).astype(jnp.float32)
    ri2 = lax.broadcasted_iota(jnp.int32, (128, 128), 0)
    ci2 = lax.broadcasted_iota(jnp.int32, (128, 128), 1)
    tile = (tall @ rep) * (ri2 // B == ci2 // B).astype(jnp.float32)
    out_ref[...] = jnp.zeros_like(out_ref)
    out_ref[:, pl.ds(pl.multiple_of(s * 128, 128), 128)] = tile


def _gather_kernel(tab_hbm, cm8_hbm, i_hbm, j_hbm,
                   out_hbm, er_out_hbm,
                   idx_i, idx_j, idx_e, abi, abj, erows, gout, sem):
    wid = lax.axis_index("s") * NC + lax.axis_index("c")

    def chunk_body(k, carry):
        base = wid * PPW + k * CH
        pltpu.sync_copy(i_hbm.at[pl.ds(base, CH)], idx_i)
        pltpu.sync_copy(j_hbm.at[pl.ds(base, CH)], idx_j)
        for t in range(CH // 16):
            iv = idx_i[pl.ds(t * 16, 16)]
            jv = idx_j[pl.ds(t * 16, 16)]
            idx_e[pl.ds(t * 16, 16)] = lax.shift_right_logical(iv * N + jv, 7)
        pltpu.async_copy(tab_hbm.at[idx_i], abi, sem).wait()
        pltpu.async_copy(tab_hbm.at[idx_j], abj, sem).wait()
        pltpu.async_copy(cm8_hbm.at[idx_e], erows, sem).wait()

        def row_body(rr, carry2):
            for q in range(HID // 16):
                gout[rr, pl.ds(q * 16, 16)] = (
                    abi[rr, pl.ds(q * 16, 16)]
                    + abj[rr, pl.ds(HID + q * 16, 16)])
            return carry2

        lax.fori_loop(0, CH, row_body, 0)
        pltpu.sync_copy(gout, out_hbm.at[pl.ds(base, CH)])
        pltpu.sync_copy(erows, er_out_hbm.at[pl.ds(base, CH)])
        return carry

    lax.fori_loop(0, NCH, chunk_body, 0)


def _gather_G(tab, cm8, i, j):
    mesh = plsc.VectorSubcoreMesh(core_axis_name="c", subcore_axis_name="s")
    return pl.kernel(
        _gather_kernel,
        mesh=mesh,
        out_type=[
            jax.ShapeDtypeStruct((P, HID), jnp.float32),
            jax.ShapeDtypeStruct((P, 128), jnp.float32),
        ],
        scratch_types=[
            pltpu.VMEM((CH,), jnp.int32),
            pltpu.VMEM((CH,), jnp.int32),
            pltpu.VMEM((CH,), jnp.int32),
            pltpu.VMEM((CH, 128), jnp.float32),
            pltpu.VMEM((CH, 128), jnp.float32),
            pltpu.VMEM((CH, 128), jnp.float32),
            pltpu.VMEM((CH, HID), jnp.float32),
            pltpu.SemaphoreType.DMA,
        ],
    )(tab, cm8, i, j)


def kernel(nodes_features, connectivity_mask, atom_blocks, off_diag_blocks,
           W_d1, b_d1, W_d2, b_d2, W_o1, b_o1, W_o2, b_o2, pair_index):
    i = pair_index[:, 0]
    j = pair_index[:, 1]
    edge_diag = jnp.diagonal(connectivity_mask)[:, None]

    diag_blk, tab = pl.pallas_call(
        _diag_body,
        out_shape=[
            jax.ShapeDtypeStruct((N, B * B), jnp.float32),
            jax.ShapeDtypeStruct((N, 2 * HID), jnp.float32),
        ],
    )(nodes_features, edge_diag, W_d1[:F], W_d1[F][None, :], b_d1[None, :],
      W_d2, b_d2[None, :], atom_blocks.reshape(N, B * B),
      W_o1[:F], W_o1[F:2 * F])

    cm8 = connectivity_mask.reshape(N * N // 128, 128)
    G, erows = _gather_G(tab, cm8, i, j)
    lane = ((i * N + j) & 127).astype(jnp.int32)[:, None]

    BP = 4096
    off_flat = pl.pallas_call(
        _off_body,
        grid=(P // BP,),
        in_specs=[
            pl.BlockSpec((BP, HID), lambda k: (k, 0)),
            pl.BlockSpec((BP, 128), lambda k: (k, 0)),
            pl.BlockSpec((BP, 1), lambda k: (k, 0)),
            pl.BlockSpec((1, HID), lambda k: (0, 0)),
            pl.BlockSpec((1, HID), lambda k: (0, 0)),
            pl.BlockSpec((HID, B * B), lambda k: (0, 0)),
            pl.BlockSpec((1, B * B), lambda k: (0, 0)),
            pl.BlockSpec((BP, B * B), lambda k: (k, 0)),
        ],
        out_specs=pl.BlockSpec((BP, B * B), lambda k: (k, 0)),
        out_shape=jax.ShapeDtypeStruct((P, B * B), jnp.float32),
    )(G, erows, lane, W_o1[2 * F][None, :], b_o1[None, :],
      W_o2, b_o2[None, :], off_diag_blocks.reshape(P, B * B))
    off_blk = off_flat.reshape(P, B, B)

    H_base = pl.pallas_call(
        _base_body,
        grid=(N * B // 128,),
        in_specs=[pl.BlockSpec((128, B), lambda s: (s, 0))],
        out_specs=pl.BlockSpec((128, N * B), lambda s: (s, 0)),
        out_shape=jax.ShapeDtypeStruct((N * B, N * B), jnp.float32),
    )(diag_blk.reshape(N * B, B))

    ar = jnp.arange(B)
    r_o = (i * B)[:, None, None] + ar[None, :, None]
    c_o = (j * B)[:, None, None] + ar[None, None, :]
    H = H_base.at[r_o, c_o].set(off_blk)
    r_s = (j * B)[:, None, None] + ar[None, :, None]
    c_s = (i * B)[:, None, None] + ar[None, None, :]
    H = H.at[r_s, c_s].set(jnp.swapaxes(off_blk, 1, 2))
    return H

# --- scband reference (transcript-rebuilt; emitter-appended) ---
"""Pipeline reference for scband-hamiltonian-block-gen-layer-14044543058109 (READ-ONLY COPY).

The authoritative reference and input builder live on the scoring server;
editing this copy changes nothing except your own understanding.
"""

import jax, jax.numpy as jnp
import numpy as np

N = 1024   # n_atoms
B = 8      # basis block size (orbitals per atom)
P = 32768  # n atom pairs
F = 16     # nodes_feature_size (hardcoded in module)
HID = 64   # hidden width of block-generating MLPs


def setup_inputs(seed: int = 0) -> dict:
    key = jax.random.key(seed)
    ks = jax.random.split(key, 13)
    nodes_features = jax.random.normal(ks[0], (N, F), dtype=jnp.float32)
    connectivity_mask = jax.random.normal(ks[1], (N, N), dtype=jnp.float32)
    atom_blocks = jax.random.normal(ks[2], (N, B, B), dtype=jnp.float32)
    off_diag_blocks = jax.random.normal(ks[3], (P, B, B), dtype=jnp.float32)
    pair_index = jax.random.randint(ks[4], (P, 2), 0, N, dtype=jnp.int32)
    # learned parameters: diagonal-block MLP (input: node_feat[16] + self edge_feat[1])
    W_d1 = jax.random.normal(ks[5], (F + 1, HID), dtype=jnp.float32) * 0.05
    b_d1 = jnp.zeros((HID,), dtype=jnp.float32)
    W_d2 = jax.random.normal(ks[6], (HID, B * B), dtype=jnp.float32) * 0.05
    b_d2 = jnp.zeros((B * B,), dtype=jnp.float32)
    # learned parameters: off-diagonal-block MLP (input: node_i[16] + node_j[16] + edge_ij[1])
    W_o1 = jax.random.normal(ks[7], (2 * F + 1, HID), dtype=jnp.float32) * 0.05
    b_o1 = jnp.zeros((HID,), dtype=jnp.float32)
    W_o2 = jax.random.normal(ks[8], (HID, B * B), dtype=jnp.float32) * 0.05
    b_o2 = jnp.zeros((B * B,), dtype=jnp.float32)
    return {
        'nodes_features': nodes_features,
        'connectivity_mask': connectivity_mask,
        'atom_blocks': atom_blocks,
        'off_diag_blocks': off_diag_blocks,
        'W_d1': W_d1, 'b_d1': b_d1, 'W_d2': W_d2, 'b_d2': b_d2,
        'W_o1': W_o1, 'b_o1': b_o1, 'W_o2': W_o2, 'b_o2': b_o2,
        'pair_index': pair_index,
    }


def reference(nodes_features, connectivity_mask, atom_blocks, off_diag_blocks,
              W_d1, b_d1, W_d2, b_d2, W_o1, b_o1, W_o2, b_o2, pair_index):
    # --- diagonal blocks: one per atom, generated from (node_feat, self edge_feat) ---
    edge_diag = jnp.diagonal(connectivity_mask)[:, None]                 # [N,1]
    feat_d = jnp.concatenate([nodes_features, edge_diag], axis=-1)        # [N,F+1]
    h_d = jnp.tanh(feat_d @ W_d1 + b_d1)                                  # [N,HID]
    diag_blk = (h_d @ W_d2 + b_d2).reshape(N, B, B) * atom_blocks         # [N,B,B]
    # --- off-diagonal blocks: one per atom pair ---
    i = pair_index[:, 0]
    j = pair_index[:, 1]
    e_ij = connectivity_mask[i, j][:, None]                               # [P,1] gather
    feat_o = jnp.concatenate([nodes_features[i], nodes_features[j], e_ij], axis=-1)  # [P,2F+1]
    h_o = jnp.tanh(feat_o @ W_o1 + b_o1)                                  # [P,HID]
    off_blk = (h_o @ W_o2 + b_o2).reshape(P, B, B) * off_diag_blocks      # [P,B,B]
    # --- scatter blocks into the total Hamiltonian (block-overwrite) ---
    ar = jnp.arange(B)
    H = jnp.zeros((N * B, N * B), dtype=jnp.float32)
    d_off = jnp.arange(N) * B
    r_d = d_off[:, None, None] + ar[None, :, None]
    c_d = d_off[:, None, None] + ar[None, None, :]
    H = H.at[r_d, c_d].set(diag_blk)
    r_o = (i * B)[:, None, None] + ar[None, :, None]
    c_o = (j * B)[:, None, None] + ar[None, None, :]
    H = H.at[r_o, c_o].set(off_blk)
    # symmetric counterpart H[j-block, i-block] = block.T (as in the module's .T branches)
    r_s = (j * B)[:, None, None] + ar[None, :, None]
    c_s = (i * B)[:, None, None] + ar[None, None, :]
    H = H.at[r_s, c_s].set(jnp.swapaxes(off_blk, 1, 2))
    return H

if __name__ == "__main__":
    import jax
    _d = setup_inputs()
    print(jax.jit(kernel)(*tuple(_d.values())))

</pallas_src>

<mosaic_0001>
#map = affine_map<(d0, d1) -> (0, 0)>
#map1 = affine_map<(d0, d1) -> (0)>
module attributes {stable_mosaic.version = 14 : i64} {
  func.func @_gather_kernel(%arg0: i32, %arg1: i32, %arg2: memref<1024x128xf32, #tpu.memory_space<hbm>>, %arg3: memref<8192x128xf32, #tpu.memory_space<hbm>>, %arg4: memref<32768xi32, #tpu.memory_space<hbm>>, %arg5: memref<32768xi32, #tpu.memory_space<hbm>>, %arg6: memref<32768x64xf32, #tpu.memory_space<hbm>>, %arg7: memref<32768x128xf32, #tpu.memory_space<hbm>>, %arg8: memref<128xi32, #tpu.memory_space<vmem>>, %arg9: memref<128xi32, #tpu.memory_space<vmem>>, %arg10: memref<128xi32, #tpu.memory_space<vmem>>, %arg11: memref<128x128xf32, #tpu.memory_space<vmem>>, %arg12: memref<128x128xf32, #tpu.memory_space<vmem>>, %arg13: memref<128x128xf32, #tpu.memory_space<vmem>>, %arg14: memref<128x64xf32, #tpu.memory_space<vmem>>, %arg15: memref<!tpu.dma_semaphore, #tpu.memory_space<semaphore_mem>>) attributes {dimension_semantics = [#tpu.dimension_semantics<core_parallel>, #tpu.dimension_semantics<subcore_parallel>], iteration_bounds = array<i64: 2, 16>, scalar_prefetch = 0 : i64, scratch_operands = 8 : i64, tpu.core_type = #tpu.core_type<sc_vector_subcore>, window_params = [{transform_indices = #map}, {transform_indices = #map}, {transform_indices = #map1}, {transform_indices = #map1}, {transform_indices = #map}, {transform_indices = #map}]} {
    %mul3A = arith.constant 2 : i32
    %mul3A_0 = arith.muli %arg1, %mul3A : i32
    %add3A = arith.addi %mul3A_0, %arg0 : i32
    %scan3A = arith.constant 0 : i32
    %scan3A_1 = arith.constant 0 : i32
    %scan3A_2 = arith.constant 8 : i32
    %scan3A_3 = arith.addi %scan3A_1, %scan3A_2 : i32
    %scan3A_4 = arith.constant 1 : i32
    scf.for %scan3A_6 = %scan3A_1 to %scan3A_3 step %scan3A_4  : i32 {
      %mul3A_7 = arith.constant 1024 : i32
      %mul3A_8 = arith.muli %add3A, %mul3A_7 : i32
      %mul3A_9 = arith.constant 128 : i32
      %mul3A_10 = arith.muli %scan3A_6, %mul3A_9 : i32
      %add3A_11 = arith.addi %mul3A_8, %mul3A_10 : i32
      "tpu.region"() ({
        %run_scoped3A = tpu.sem_alloc : memref<!tpu.dma_semaphore, #tpu.memory_space<semaphore_mem>>
        %dma_start3A_167 = tpu.memref_slice %arg4[%add3A_11] : memref<32768xi32, #tpu.memory_space<hbm>> -> memref<128xi32, #tpu.memory_space<hbm>>
        %dma_start3A_168 = tpu.memref_slice %arg4[%add3A_11] : memref<32768xi32, #tpu.memory_space<hbm>> -> memref<128xi32, #tpu.memory_space<hbm>>
        tpu.enqueue_dma source(%dma_start3A_168 : memref<128xi32, #tpu.memory_space<hbm>>) target(%arg8 : memref<128xi32, #tpu.memory_space<vmem>>) target_semaphore(%run_scoped3A : memref<!tpu.dma_semaphore, #tpu.memory_space<semaphore_mem>>)
        %dma_wait3A_169 = tpu.memref_slice %arg4[%add3A_11] : memref<32768xi32, #tpu.memory_space<hbm>> -> memref<128xi32, #tpu.memory_space<hbm>>
        %dma_wait3A_170 = tpu.memref_slice %arg4[%add3A_11] : memref<32768xi32, #tpu.memory_space<hbm>> -> memref<128xi32, #tpu.memory_space<hbm>>
        tpu.wait_dma2 semaphore(%run_scoped3A : memref<!tpu.dma_semaphore, #tpu.memory_space<semaphore_mem>>) src(%dma_wait3A_170 : memref<128xi32, #tpu.memory_space<hbm>>) dst(%arg8 : memref<128xi32, #tpu.memory_space<vmem>>)
        tpu.yield
      }) : () -> ()
      "tpu.region"() ({
        %run_scoped3A = tpu.sem_alloc : memref<!tpu.dma_semaphore, #tpu.memory_space<semaphore_mem>>
        %dma_start3A_167 = tpu.memref_slice %arg5[%add3A_11] : memref<32768xi32, #tpu.memory_space<hbm>> -> memref<128xi32, #tpu.memory_space<hbm>>
        %dma_start3A_168 = tpu.memref_slice %arg5[%add3A_11] : memref<32768xi32, #tpu.memory_space<hbm>> -> memref<128xi32, #tpu.memory_space<hbm>>
        tpu.enqueue_dma source(%dma_start3A_168 : memref<128xi32, #tpu.memory_space<hbm>>) target(%arg9 : memref<128xi32, #tpu.memory_space<vmem>>) target_semaphore(%run_scoped3A : memref<!tpu.dma_semaphore, #tpu.memory_space<semaphore_mem>>)
        %dma_wait3A_169 = tpu.memref_slice %arg5[%add3A_11] : memref<32768xi32, #tpu.memory_space<hbm>> -> memref<128xi32, #tpu.memory_space<hbm>>
        %dma_wait3A_170 = tpu.memref_slice %arg5[%add3A_11] : memref<32768xi32, #tpu.memory_space<hbm>> -> memref<128xi32, #tpu.memory_space<hbm>>
        tpu.wait_dma2 semaphore(%run_scoped3A : memref<!tpu.dma_semaphore, #tpu.memory_space<semaphore_mem>>) src(%dma_wait3A_170 : memref<128xi32, #tpu.memory_space<hbm>>) dst(%arg9 : memref<128xi32, #tpu.memory_space<vmem>>)
        tpu.yield
      }) : () -> ()
      %get3A = arith.constant 0 : index
      %get3A_12 = tpu.vector_load %arg8[%get3A] {strides = array<i32>} : memref<128xi32, #tpu.memory_space<vmem>>, vector<16xi32>,
      %get3A_13 = vector.shape_cast %get3A_12 : vector<16xi32> to vector<16xi32>
      %get3A_14 = arith.constant 0 : index
      %get3A_15 = tpu.vector_load %arg9[%get3A_14] {strides = array<i32>} : memref<128xi32, #tpu.memory_space<vmem>>, vector<16xi32>,
      %get3A_16 = vector.shape_cast %get3A_15 : vector<16xi32> to vector<16xi32>
      %mul3A_17 = arith.constant 1024 : i32
      %mul3A_18 = vector.broadcast %mul3A_17 : i32 to vector<16xi32>
      %mul3A_19 = arith.muli %get3A_13, %mul3A_18 : vector<16xi32>
      %add3A_20 = arith.addi %mul3A_19, %get3A_16 : vector<16xi32>
      %shift_right_logical3A = arith.constant 7 : i32
      %shift_right_logical3A_21 = vector.broadcast %shift_right_logical3A : i32 to vector<16xi32>
      %shift_right_logical3A_22 = arith.shrui %add3A_20, %shift_right_logical3A_21 : vector<16xi32>
      %swap3A = arith.constant 0 : index
      %swap3A_23 = tpu.vector_load %arg10[%swap3A] {strides = array<i32>} : memref<128xi32, #tpu.memory_space<vmem>>, vector<16xi32>,
      %swap3A_24 = vector.shape_cast %swap3A_23 : vector<16xi32> to vector<16xi32>
      %swap3A_25 = vector.shape_cast %shift_right_logical3A_22 : vector<16xi32> to vector<16xi32>
      tpu.vector_store %arg10[%swap3A], %swap3A_25 {strides = array<i32>} : memref<128xi32, #tpu.memory_space<vmem>>, vector<16xi32>,
      %get3A_26 = arith.constant 16 : index
      %get3A_27 = tpu.vector_load %arg8[%get3A_26] {strides = array<i32>} : memref<128xi32, #tpu.memory_space<vmem>>, vector<16xi32>,
      %get3A_28 = vector.shape_cast %get3A_27 : vector<16xi32> to vector<16xi32>
      %get3A_29 = arith.constant 16 : index
      %get3A_30 = tpu.vector_load %arg9[%get3A_29] {strides = array<i32>} : memref<128xi32, #tpu.memory_space<vmem>>, vector<16xi32>,
      %get3A_31 = vector.shape_cast %get3A_30 : vector<16xi32> to vector<16xi32>
      %mul3A_32 = arith.constant 1024 : i32
      %mul3A_33 = vector.broadcast %mul3A_32 : i32 to vector<16xi32>
      %mul3A_34 = arith.muli %get3A_28, %mul3A_33 : vector<16xi32>
      %add3A_35 = arith.addi %mul3A_34, %get3A_31 : vector<16xi32>
      %shift_right_logical3A_36 = arith.constant 7 : i32
      %shift_right_logical3A_37 = vector.broadcast %shift_right_logical3A_36 : i32 to vector<16xi32>
      %shift_right_logical3A_38 = arith.shrui %add3A_35, %shift_right_logical3A_37 : vector<16xi32>
      %swap3A_39 = arith.constant 16 : index
      %swap3A_40 = tpu.vector_load %arg10[%swap3A_39] {strides = array<i32>} : memref<128xi32, #tpu.memory_space<vmem>>, vector<16xi32>,
      %swap3A_41 = vector.shape_cast %swap3A_40 : vector<16xi32> to vector<16xi32>
      %swap3A_42 = vector.shape_cast %shift_right_logical3A_38 : vector<16xi32> to vector<16xi32>
      tpu.vector_store %arg10[%swap3A_39], %swap3A_42 {strides = array<i32>} : memref<128xi32, #tpu.memory_space<vmem>>, vector<16xi32>,
      %get3A_43 = arith.constant 32 : index
      %get3A_44 = tpu.vector_load %arg8[%get3A_43] {strides = array<i32>} : memref<128xi32, #tpu.memory_space<vmem>>, vector<16xi32>,
      %get3A_45 = vector.shape_cast %get3A_44 : vector<16xi32> to vector<16xi32>
      %get3A_46 = arith.constant 32 : index
      %get3A_47 = tpu.vector_load %arg9[%get3A_46] {strides = array<i32>} : memref<128xi32, #tpu.memory_space<vmem>>, vector<16xi32>,
      %get3A_48 = vector.shape_cast %get3A_47 : vector<16xi32> to vector<16xi32>
      %mul3A_49 = arith.constant 1024 : i32
      %mul3A_50 = vector.broadcast %mul3A_49 : i32 to vector<16xi32>
      %mul3A_51 = arith.muli %get3A_45, %mul3A_50 : vector<16xi32>
      %add3A_52 = arith.addi %mul3A_51, %get3A_48 : vector<16xi32>
      %shift_right_logical3A_53 = arith.constant 7 : i32
      %shift_right_logical3A_54 = vector.broadcast %shift_right_logical3A_53 : i32 to vector<16xi32>
      %shift_right_logical3A_55 = arith.shrui %add3A_52, %shift_right_logical3A_54 : vector<16xi32>
      %swap3A_56 = arith.constant 32 : index
      %swap3A_57 = tpu.vector_load %arg10[%swap3A_56] {strides = array<i32>} : memref<128xi32, #tpu.memory_space<vmem>>, vector<16xi32>,
      %swap3A_58 = vector.shape_cast %swap3A_57 : vector<16xi32> to vector<16xi32>
      %swap3A_59 = vector.shape_cast %shift_right_logical3A_55 : vector<16xi32> to vector<16xi32>
      tpu.vector_store %arg10[%swap3A_56], %swap3A_59 {strides = array<i32>} : memref<128xi32, #tpu.memory_space<vmem>>, vector<16xi32>,
      %get3A_60 = arith.constant 48 : index
      %get3A_61 = tpu.vector_load %arg8[%get3A_60] {strides = array<i32>} : memref<128xi32, #tpu.memory_space<vmem>>, vector<16xi32>,
      %get3A_62 = vector.shape_cast %get3A_61 : vector<16xi32> to vector<16xi32>
      %get3A_63 = arith.constant 48 : index
      %get3A_64 = tpu.vector_load %arg9[%get3A_63] {strides = array<i32>} : memref<128xi32, #tpu.memory_space<vmem>>, vector<16xi32>,
      %get3A_65 = vector.shape_cast %get3A_64 : vector<16xi32> to vector<16xi32>
      %mul3A_66 = arith.constant 1024 : i32
      %mul3A_67 = vector.broadcast %mul3A_66 : i32 to vector<16xi32>
      %mul3A_68 = arith.muli %get3A_62, %mul3A_67 : vector<16xi32>
      %add3A_69 = arith.addi %mul3A_68, %get3A_65 : vector<16xi32>
      %shift_right_logical3A_70 = arith.constant 7 : i32
      %shift_right_logical3A_71 = vector.broadcast %shift_right_logical3A_70 : i32 to vector<16xi32>
      %shift_right_logical3A_72 = arith.shrui %add3A_69, %shift_right_logical3A_71 : vector<16xi32>
      %swap3A_73 = arith.constant 48 : index
      %swap3A_74 = tpu.vector_load %arg10[%swap3A_73] {strides = array<i32>} : memref<128xi32, #tpu.memory_space<vmem>>, vector<16xi32>,
      %swap3A_75 = vector.shape_cast %swap3A_74 : vector<16xi32> to vector<16xi32>
      %swap3A_76 = vector.shape_cast %shift_right_logical3A_72 : vector<16xi32> to vector<16xi32>
      tpu.vector_store %arg10[%swap3A_73], %swap3A_76 {strides = array<i32>} : memref<128xi32, #tpu.memory_space<vmem>>, vector<16xi32>,
      %get3A_77 = arith.constant 64 : index
      %get3A_78 = tpu.vector_load %arg8[%get3A_77] {strides = array<i32>} : memref<128xi32, #tpu.memory_space<vmem>>, vector<16xi32>,
      %get3A_79 = vector.shape_cast %get3A_78 : vector<16xi32> to vector<16xi32>
      %get3A_80 = arith.constant 64 : index
      %get3A_81 = tpu.vector_load %arg9[%get3A_80] {strides = array<i32>} : memref<128xi32, #tpu.memory_space<vmem>>, vector<16xi32>,
      %get3A_82 = vector.shape_cast %get3A_81 : vector<16xi32> to vector<16xi32>
      %mul3A_83 = arith.constant 1024 : i32
      %mul3A_84 = vector.broadcast %mul3A_83 : i32 to vector<16xi32>
      %mul3A_85 = arith.muli %get3A_79, %mul3A_84 : vector<16xi32>
      %add3A_86 = arith.addi %mul3A_85, %get3A_82 : vector<16xi32>
      %shift_right_logical3A_87 = arith.constant 7 : i32
      %shift_right_logical3A_88 = vector.broadcast %shift_right_logical3A_87 : i32 to vector<16xi32>
      %shift_right_logical3A_89 = arith.shrui %add3A_86, %shift_right_logical3A_88 : vector<16xi32>
      %swap3A_90 = arith.constant 64 : index
      %swap3A_91 = tpu.vector_load %arg10[%swap3A_90] {strides = array<i32>} : memref<128xi32, #tpu.memory_space<vmem>>, vector<16xi32>,
      %swap3A_92 = vector.shape_cast %swap3A_91 : vector<16xi32> to vector<16xi32>
      %swap3A_93 = vector.shape_cast %shift_right_logical3A_89 : vector<16xi32> to vector<16xi32>
      tpu.vector_store %arg10[%swap3A_90], %swap3A_93 {strides = array<i32>} : memref<128xi32, #tpu.memory_space<vmem>>, vector<16xi32>,
      %get3A_94 = arith.constant 80 : index
      %get3A_95 = tpu.vector_load %arg8[%get3A_94] {strides = array<i32>} : memref<128xi32, #tpu.memory_space<vmem>>, vector<16xi32>,
      %get3A_96 = vector.shape_cast %get3A_95 : vector<16xi32> to vector<16xi32>
      %get3A_97 = arith.constant 80 : index
      %get3A_98 = tpu.vector_load %arg9[%get3A_97] {strides = array<i32>} : memref<128xi32, #tpu.memory_space<vmem>>, vector<16xi32>,
      %get3A_99 = vector.shape_cast %get3A_98 : vector<16xi32> to vector<16xi32>
      %mul3A_100 = arith.constant 1024 : i32
      %mul3A_101 = vector.broadcast %mul3A_100 : i32 to vector<16xi32>
      %mul3A_102 = arith.muli %get3A_96, %mul3A_101 : vector<16xi32>
      %add3A_103 = arith.addi %mul3A_102, %get3A_99 : vector<16xi32>
      %shift_right_logical3A_104 = arith.constant 7 : i32
      %shift_right_logical3A_105 = vector.broadcast %shift_right_logical3A_104 : i32 to vector<16xi32>
      %shift_right_logical3A_106 = arith.shrui %add3A_103, %shift_right_logical3A_105 : vector<16xi32>
      %swap3A_107 = arith.constant 80 : index
      %swap3A_108 = tpu.vector_load %arg10[%swap3A_107] {strides = array<i32>} : memref<128xi32, #tpu.memory_space<vmem>>, vector<16xi32>,
      %swap3A_109 = vector.shape_cast %swap3A_108 : vector<16xi32> to vector<16xi32>
      %swap3A_110 = vector.shape_cast %shift_right_logical3A_106 : vector<16xi32> to vector<16xi32>
      tpu.vector_store %arg10[%swap3A_107], %swap3A_110 {strides = array<i32>} : memref<128xi32, #tpu.memory_space<vmem>>, vector<16xi32>,
      %get3A_111 = arith.constant 96 : index
      %get3A_112 = tpu.vector_load %arg8[%get3A_111] {strides = array<i32>} : memref<128xi32, #tpu.memory_space<vmem>>, vector<16xi32>,
      %get3A_113 = vector.shape_cast %get3A_112 : vector<16xi32> to vector<16xi32>
      %get3A_114 = arith.constant 96 : index
      %get3A_115 = tpu.vector_load %arg9[%get3A_114] {strides = array<i32>} : memref<128xi32, #tpu.memory_space<vmem>>, vector<16xi32>,
      %get3A_116 = vector.shape_cast %get3A_115 : vector<16xi32> to vector<16xi32>
      %mul3A_117 = arith.constant 1024 : i32
      %mul3A_118 = vector.broadcast %mul3A_117 : i32 to vector<16xi32>
      %mul3A_119 = arith.muli %get3A_113, %mul3A_118 : vector<16xi32>
      %add3A_120 = arith.addi %mul3A_119, %get3A_116 : vector<16xi32>
      %shift_right_logical3A_121 = arith.constant 7 : i32
      %shift_right_logical3A_122 = vector.broadcast %shift_right_logical3A_121 : i32 to vector<16xi32>
      %shift_right_logical3A_123 = arith.shrui %add3A_120, %shift_right_logical3A_122 : vector<16xi32>
      %swap3A_124 = arith.constant 96 : index
      %swap3A_125 = tpu.vector_load %arg10[%swap3A_124] {strides = array<i32>} : memref<128xi32, #tpu.memory_space<vmem>>, vector<16xi32>,
      %swap3A_126 = vector.shape_cast %swap3A_125 : vector<16xi32> to vector<16xi32>
      %swap3A_127 = vector.shape_cast %shift_right_logical3A_123 : vector<16xi32> to vector<16xi32>
      tpu.vector_store %arg10[%swap3A_124], %swap3A_127 {strides = array<i32>} : memref<128xi32, #tpu.memory_space<vmem>>, vector<16xi32>,
      %get3A_128 = arith.constant 112 : index
      %get3A_129 = tpu.vector_load %arg8[%get3A_128] {strides = array<i32>} : memref<128xi32, #tpu.memory_space<vmem>>, vector<16xi32>,
      %get3A_130 = vector.shape_cast %get3A_129 : vector<16xi32> to vector<16xi32>
      %get3A_131 = arith.constant 112 : index
      %get3A_132 = tpu.vector_load %arg9[%get3A_131] {strides = array<i32>} : memref<128xi32, #tpu.memory_space<vmem>>, vector<16xi32>,
      %get3A_133 = vector.shape_cast %get3A_132 : vector<16xi32> to vector<16xi32>
      %mul3A_134 = arith.constant 1024 : i32
      %mul3A_135 = vector.broadcast %mul3A_134 : i32 to vector<16xi32>
      %mul3A_136 = arith.muli %get3A_130, %mul3A_135 : vector<16xi32>
      %add3A_137 = arith.addi %mul3A_136, %get3A_133 : vector<16xi32>
      %shift_right_logical3A_138 = arith.constant 7 : i32
      %shift_right_logical3A_139 = vector.broadcast %shift_right_logical3A_138 : i32 to vector<16xi32>
      %shift_right_logical3A_140 = arith.shrui %add3A_137, %shift_right_logical3A_139 : vector<16xi32>
      %swap3A_141 = arith.constant 112 : index
      %swap3A_142 = tpu.vector_load %arg10[%swap3A_141] {strides = array<i32>} : memref<128xi32, #tpu.memory_space<vmem>>, vector<16xi32>,
      %swap3A_143 = vector.shape_cast %swap3A_142 : vector<16xi32> to vector<16xi32>
      %swap3A_144 = vector.shape_cast %shift_right_logical3A_140 : vector<16xi32> to vector<16xi32>
      tpu.vector_store %arg10[%swap3A_141], %swap3A_144 {strides = array<i32>} : memref<128xi32, #tpu.memory_space<vmem>>, vector<16xi32>,
      %dma_start3A = arith.constant 0 : i32
      %dma_start3A_145 = arith.constant 0 : i32
      %dma_start3A_146 = tpu.memref_slice %arg2[%dma_start3A, %dma_start3A_145] : memref<1024x128xf32, #tpu.memory_space<hbm>> -> memref<1024x128xf32, #tpu.memory_space<hbm>>
      tpu.enqueue_indirect_dma source(%dma_start3A_146 : memref<1024x128xf32, #tpu.memory_space<hbm>>) target(%arg11 : memref<128x128xf32, #tpu.memory_space<vmem>>) offsets(%arg8 : memref<128xi32, #tpu.memory_space<vmem>>) semaphore(%arg15 : memref<!tpu.dma_semaphore, #tpu.memory_space<semaphore_mem>>)
      %dma_wait3A = arith.constant 0 : i32
      %dma_wait3A_147 = arith.constant 0 : i32
      %dma_wait3A_148 = tpu.memref_slice %arg2[%dma_wait3A, %dma_wait3A_147] : memref<1024x128xf32, #tpu.memory_space<hbm>> -> memref<1024x128xf32, #tpu.memory_space<hbm>>
      tpu.wait_indirect_dma semaphore(%arg15 : memref<!tpu.dma_semaphore, #tpu.memory_space<semaphore_mem>>) src(%dma_wait3A_148 : memref<1024x128xf32, #tpu.memory_space<hbm>>) dst(%arg11 : memref<128x128xf32, #tpu.memory_space<vmem>>)
      %dma_start3A_149 = arith.constant 0 : i32
      %dma_start3A_150 = arith.constant 0 : i32
      %dma_start3A_151 = tpu.memref_slice %arg2[%dma_start3A_149, %dma_start3A_150] : memref<1024x128xf32, #tpu.memory_space<hbm>> -> memref<1024x128xf32, #tpu.memory_space<hbm>>
      tpu.enqueue_indirect_dma source(%dma_start3A_151 : memref<1024x128xf32, #tpu.memory_space<hbm>>) target(%arg12 : memref<128x128xf32, #tpu.memory_space<vmem>>) offsets(%arg9 : memref<128xi32, #tpu.memory_space<vmem>>) semaphore(%arg15 : memref<!tpu.dma_semaphore, #tpu.memory_space<semaphore_mem>>)
      %dma_wait3A_152 = arith.constant 0 : i32
      %dma_wait3A_153 = arith.constant 0 : i32
      %dma_wait3A_154 = tpu.memref_slice %arg2[%dma_wait3A_152, %dma_wait3A_153] : memref<1024x128xf32, #tpu.memory_space<hbm>> -> memref<1024x128xf32, #tpu.memory_space<hbm>>
      tpu.wait_indirect_dma semaphore(%arg15 : memref<!tpu.dma_semaphore, #tpu.memory_space<semaphore_mem>>) src(%dma_wait3A_154 : memref<1024x128xf32, #tpu.memory_space<hbm>>) dst(%arg12 : memref<128x128xf32, #tpu.memory_space<vmem>>)
      %dma_start3A_155 = arith.constant 0 : i32
      %dma_start3A_156 = arith.constant 0 : i32
      %dma_start3A_157 = tpu.memref_slice %arg3[%dma_start3A_155, %dma_start3A_156] : memref<8192x128xf32, #tpu.memory_space<hbm>> -> memref<8192x128xf32, #tpu.memory_space<hbm>>
      tpu.enqueue_indirect_dma source(%dma_start3A_157 : memref<8192x128xf32, #tpu.memory_space<hbm>>) target(%arg13 : memref<128x128xf32, #tpu.memory_space<vmem>>) offsets(%arg10 : memref<128xi32, #tpu.memory_space<vmem>>) semaphore(%arg15 : memref<!tpu.dma_semaphore, #tpu.memory_space<semaphore_mem>>)
      %dma_wait3A_158 = arith.constant 0 : i32
      %dma_wait3A_159 = arith.constant 0 : i32
      %dma_wait3A_160 = tpu.memref_slice %arg3[%dma_wait3A_158, %dma_wait3A_159] : memref<8192x128xf32, #tpu.memory_space<hbm>> -> memref<8192x128xf32, #tpu.memory_space<hbm>>
      tpu.wait_indirect_dma semaphore(%arg15 : memref<!tpu.dma_semaphore, #tpu.memory_space<semaphore_mem>>) src(%dma_wait3A_160 : memref<8192x128xf32, #tpu.memory_space<hbm>>) dst(%arg13 : memref<128x128xf32, #tpu.memory_space<vmem>>)
      %scan3A_161 = arith.constant 0 : i32
      %scan3A_162 = arith.constant 0 : i32
      %scan3A_163 = arith.constant 128 : i32
      %scan3A_164 = arith.addi %scan3A_162, %scan3A_163 : i32
      %scan3A_165 = arith.constant 1 : i32
      scf.for %scan3A_167 = %scan3A_162 to %scan3A_164 step %scan3A_165  : i32 {
        %get3A_168 = arith.index_cast %scan3A_167 : i32 to index
        %get3A_169 = arith.constant 0 : index
        %get3A_170 = tpu.vector_load %arg11[%get3A_168, %get3A_169] {strides = array<i32>} : memref<128x128xf32, #tpu.memory_space<vmem>>, vector<1x16xf32>,
        %get3A_171 = vector.shape_cast %get3A_170 : vector<1x16xf32> to vector<16xf32>
        %get3A_172 = arith.index_cast %scan3A_167 : i32 to index
        %get3A_173 = arith.constant 64 : index
        %get3A_174 = tpu.vector_load %arg12[%get3A_172, %get3A_173] {strides = array<i32>} : memref<128x128xf32, #tpu.memory_space<vmem>>, vector<1x16xf32>,
        %get3A_175 = vector.shape_cast %get3A_174 : vector<1x16xf32> to vector<16xf32>
        %add3A_176 = arith.addf %get3A_171, %get3A_175 : vector<16xf32>
        %swap3A_177 = arith.index_cast %scan3A_167 : i32 to index
        %swap3A_178 = arith.constant 0 : index
        %swap3A_179 = tpu.vector_load %arg14[%swap3A_177, %swap3A_178] {strides = array<i32>} : memref<128x64xf32, #tpu.memory_space<vmem>>, vector<1x16xf32>,
        %swap3A_180 = vector.shape_cast %swap3A_179 : vector<1x16xf32> to vector<16xf32>
        %swap3A_181 = vector.shape_cast %add3A_176 : vector<16xf32> to vector<1x16xf32>
        tpu.vector_store %arg14[%swap3A_177, %swap3A_178], %swap3A_181 {strides = array<i32>} : memref<128x64xf32, #tpu.memory_space<vmem>>, vector<1x16xf32>,
        %get3A_182 = arith.index_cast %scan3A_167 : i32 to index
        %get3A_183 = arith.constant 16 : index
        %get3A_184 = tpu.vector_load %arg11[%get3A_182, %get3A_183] {strides = array<i32>} : memref<128x128xf32, #tpu.memory_space<vmem>>, vector<1x16xf32>,
        %get3A_185 = vector.shape_cast %get3A_184 : vector<1x16xf32> to vector<16xf32>
        %get3A_186 = arith.index_cast %scan3A_167 : i32 to index
        %get3A_187 = arith.constant 80 : index
        %get3A_188 = tpu.vector_load %arg12[%get3A_186, %get3A_187] {strides = array<i32>} : memref<128x128xf32, #tpu.memory_space<vmem>>, vector<1x16xf32>,
        %get3A_189 = vector.shape_cast %get3A_188 : vector<1x16xf32> to vector<16xf32>
        %add3A_190 = arith.addf %get3A_185, %get3A_189 : vector<16xf32>
        %swap3A_191 = arith.index_cast %scan3A_167 : i32 to index
        %swap3A_192 = arith.constant 16 : index
        %swap3A_193 = tpu.vector_load %arg14[%swap3A_191, %swap3A_192] {strides = array<i32>} : memref<128x64xf32, #tpu.memory_space<vmem>>, vector<1x16xf32>,
        %swap3A_194 = vector.shape_cast %swap3A_193 : vector<1x16xf32> to vector<16xf32>
        %swap3A_195 = vector.shape_cast %add3A_190 : vector<16xf32> to vector<1x16xf32>
        tpu.vector_store %arg14[%swap3A_191, %swap3A_192], %swap3A_195 {strides = array<i32>} : memref<128x64xf32, #tpu.memory_space<vmem>>, vector<1x16xf32>,
        %get3A_196 = arith.index_cast %scan3A_167 : i32 to index
        %get3A_197 = arith.constant 32 : index
        %get3A_198 = tpu.vector_load %arg11[%get3A_196, %get3A_197] {strides = array<i32>} : memref<128x128xf32, #tpu.memory_space<vmem>>, vector<1x16xf32>,
        %get3A_199 = vector.shape_cast %get3A_198 : vector<1x16xf32> to vector<16xf32>
        %get3A_200 = arith.index_cast %scan3A_167 : i32 to index
        %get3A_201 = arith.constant 96 : index
        %get3A_202 = tpu.vector_load %arg12[%get3A_200, %get3A_201] {strides = array<i32>} : memref<128x128xf32, #tpu.memory_space<vmem>>, vector<1x16xf32>,
        %get3A_203 = vector.shape_cast %get3A_202 : vector<1x16xf32> to vector<16xf32>
        %add3A_204 = arith.addf %get3A_199, %get3A_203 : vector<16xf32>
        %swap3A_205 = arith.index_cast %scan3A_167 : i32 to index
        %swap3A_206 = arith.constant 32 : index
        %swap3A_207 = tpu.vector_load %arg14[%swap3A_205, %swap3A_206] {strides = array<i32>} : memref<128x64xf32, #tpu.memory_space<vmem>>, vector<1x16xf32>,
        %swap3A_208 = vector.shape_cast %swap3A_207 : vector<1x16xf32> to vector<16xf32>
        %swap3A_209 = vector.shape_cast %add3A_204 : vector<16xf32> to vector<1x16xf32>
        tpu.vector_store %arg14[%swap3A_205, %swap3A_206], %swap3A_209 {strides = array<i32>} : memref<128x64xf32, #tpu.memory_space<vmem>>, vector<1x16xf32>,
        %get3A_210 = arith.index_cast %scan3A_167 : i32 to index
        %get3A_211 = arith.constant 48 : index
        %get3A_212 = tpu.vector_load %arg11[%get3A_210, %get3A_211] {strides = array<i32>} : memref<128x128xf32, #tpu.memory_space<vmem>>, vector<1x16xf32>,
        %get3A_213 = vector.shape_cast %get3A_212 : vector<1x16xf32> to vector<16xf32>
        %get3A_214 = arith.index_cast %scan3A_167 : i32 to index
        %get3A_215 = arith.constant 112 : index
        %get3A_216 = tpu.vector_load %arg12[%get3A_214, %get3A_215] {strides = array<i32>} : memref<128x128xf32, #tpu.memory_space<vmem>>, vector<1x16xf32>,
        %get3A_217 = vector.shape_cast %get3A_216 : vector<1x16xf32> to vector<16xf32>
        %add3A_218 = arith.addf %get3A_213, %get3A_217 : vector<16xf32>
        %swap3A_219 = arith.index_cast %scan3A_167 : i32 to index
        %swap3A_220 = arith.constant 48 : index
        %swap3A_221 = tpu.vector_load %arg14[%swap3A_219, %swap3A_220] {strides = array<i32>} : memref<128x64xf32, #tpu.memory_space<vmem>>, vector<1x16xf32>,
        %swap3A_222 = vector.shape_cast %swap3A_221 : vector<1x16xf32> to vector<16xf32>
        %swap3A_223 = vector.shape_cast %add3A_218 : vector<16xf32> to vector<1x16xf32>
        tpu.vector_store %arg14[%swap3A_219, %swap3A_220], %swap3A_223 {strides = array<i32>} : memref<128x64xf32, #tpu.memory_space<vmem>>, vector<1x16xf32>,
      }
      %scan3A_166 = arith.constant 128 : i32
      "tpu.region"() ({
        %run_scoped3A = tpu.sem_alloc : memref<!tpu.dma_semaphore, #tpu.memory_space<semaphore_mem>>
        %dma_start3A_167 = arith.constant 0 : i32
        %dma_start3A_168 = tpu.memref_slice %arg6[%add3A_11, %dma_start3A_167] : memref<32768x64xf32, #tpu.memory_space<hbm>> -> memref<128x64xf32, #tpu.memory_space<hbm>>
        %dma_start3A_169 = arith.constant 0 : i32
        %dma_start3A_170 = tpu.memref_slice %arg6[%add3A_11, %dma_start3A_169] : memref<32768x64xf32, #tpu.memory_space<hbm>> -> memref<128x64xf32, #tpu.memory_space<hbm>>
        tpu.enqueue_dma source(%arg14 : memref<128x64xf32, #tpu.memory_space<vmem>>) target(%dma_start3A_170 : memref<128x64xf32, #tpu.memory_space<hbm>>) target_semaphore(%run_scoped3A : memref<!tpu.dma_semaphore, #tpu.memory_space<semaphore_mem>>)
        %dma_wait3A_171 = arith.constant 0 : i32
        %dma_wait3A_172 = tpu.memref_slice %arg6[%add3A_11, %dma_wait3A_171] : memref<32768x64xf32, #tpu.memory_space<hbm>> -> memref<128x64xf32, #tpu.memory_space<hbm>>
        %dma_wait3A_173 = arith.constant 0 : i32
        %dma_wait3A_174 = tpu.memref_slice %arg6[%add3A_11, %dma_wait3A_173] : memref<32768x64xf32, #tpu.memory_space<hbm>> -> memref<128x64xf32, #tpu.memory_space<hbm>>
        tpu.wait_dma2 semaphore(%run_scoped3A : memref<!tpu.dma_semaphore, #tpu.memory_space<semaphore_mem>>) src(%arg14 : memref<128x64xf32, #tpu.memory_space<vmem>>) dst(%dma_wait3A_174 : memref<128x64xf32, #tpu.memory_space<hbm>>)
        tpu.yield
      }) : () -> ()
      "tpu.region"() ({
        %run_scoped3A = tpu.sem_alloc : memref<!tpu.dma_semaphore, #tpu.memory_space<semaphore_mem>>
        %dma_start3A_167 = arith.constant 0 : i32
        %dma_start3A_168 = tpu.memref_slice %arg7[%add3A_11, %dma_start3A_167] : memref<32768x128xf32, #tpu.memory_space<hbm>> -> memref<128x128xf32, #tpu.memory_space<hbm>>
        %dma_start3A_169 = arith.constant 0 : i32
        %dma_start3A_170 = tpu.memref_slice %arg7[%add3A_11, %dma_start3A_169] : memref<32768x128xf32, #tpu.memory_space<hbm>> -> memref<128x128xf32, #tpu.memory_space<hbm>>
        tpu.enqueue_dma source(%arg13 : memref<128x128xf32, #tpu.memory_space<vmem>>) target(%dma_start3A_170 : memref<128x128xf32, #tpu.memory_space<hbm>>) target_semaphore(%run_scoped3A : memref<!tpu.dma_semaphore, #tpu.memory_space<semaphore_mem>>)
        %dma_wait3A_171 = arith.constant 0 : i32
        %dma_wait3A_172 = tpu.memref_slice %arg7[%add3A_11, %dma_wait3A_171] : memref<32768x128xf32, #tpu.memory_space<hbm>> -> memref<128x128xf32, #tpu.memory_space<hbm>>
        %dma_wait3A_173 = arith.constant 0 : i32
        %dma_wait3A_174 = tpu.memref_slice %arg7[%add3A_11, %dma_wait3A_173] : memref<32768x128xf32, #tpu.memory_space<hbm>> -> memref<128x128xf32, #tpu.memory_space<hbm>>
        tpu.wait_dma2 semaphore(%run_scoped3A : memref<!tpu.dma_semaphore, #tpu.memory_space<semaphore_mem>>) src(%arg13 : memref<128x128xf32, #tpu.memory_space<vmem>>) dst(%dma_wait3A_174 : memref<128x128xf32, #tpu.memory_space<hbm>>)
        tpu.yield
      }) : () -> ()
    }
    %scan3A_5 = arith.constant 8 : i32
    return
  }
}

module attributes {stable_mosaic.version = 14 : i64} {
  func.func @_diag_body(%arg0: memref<1024x16xf32, #tpu.memory_space<vmem>>, %arg1: memref<1024x1xf32, #tpu.memory_space<vmem>>, %arg2: memref<16x64xf32, #tpu.memory_space<vmem>>, %arg3: memref<1x64xf32, #tpu.memory_space<vmem>>, %arg4: memref<1x64xf32, #tpu.memory_space<vmem>>, %arg5: memref<64x64xf32, #tpu.memory_space<vmem>>, %arg6: memref<1x64xf32, #tpu.memory_space<vmem>>, %arg7: memref<1024x64xf32, #tpu.memory_space<vmem>>, %arg8: memref<16x64xf32, #tpu.memory_space<vmem>>, %arg9: memref<16x64xf32, #tpu.memory_space<vmem>>, %arg10: memref<1024x64xf32, #tpu.memory_space<vmem>>, %arg11: memref<1024x128xf32, #tpu.memory_space<vmem>>) attributes {dimension_semantics = [], scalar_prefetch = 0 : i64, scratch_operands = 0 : i64, tpu.core_type = #tpu.core_type<tc>} {
    %get3A = arith.constant 0 : index
    %get3A_0 = arith.constant 0 : index
    %get3A_1 = vector.load %arg0[%get3A, %get3A_0] : memref<1024x16xf32, #tpu.memory_space<vmem>>, vector<1024x16xf32>
    %get3A_2 = arith.constant 0 : index
    %get3A_3 = arith.constant 0 : index
    %get3A_4 = vector.load %arg2[%get3A_2, %get3A_3] : memref<16x64xf32, #tpu.memory_space<vmem>>, vector<16x64xf32>
    %dot_general3A = arith.constant dense<0.000000e+00> : vector<1024x64xf32>
    %dot_general3A_5 = tpu.matmul %get3A_1, %get3A_4, %dot_general3A {dimension_numbers = #tpu.dot_dimension_numbers<[1], [0], [0], [1], [0, 0, 1, 1], [], []>, transpose_lhs_hint = false} : vector<1024x16xf32>, vector<16x64xf32>, vector<1024x64xf32> -> vector<1024x64xf32>
    %get3A_6 = arith.constant 0 : index
    %get3A_7 = arith.constant 0 : index
    %get3A_8 = vector.load %arg1[%get3A_6, %get3A_7] : memref<1024x1xf32, #tpu.memory_space<vmem>>, vector<1024x1xf32>
    %get3A_9 = arith.constant 0 : index
    %get3A_10 = arith.constant 0 : index
    %get3A_11 = vector.load %arg3[%get3A_9, %get3A_10] : memref<1x64xf32, #tpu.memory_space<vmem>>, vector<1x64xf32>
    %mul3A = vector.broadcast %get3A_8 : vector<1024x1xf32> to vector<1024x64xf32>
    %mul3A_12 = vector.broadcast %get3A_11 : vector<1x64xf32> to vector<1024x64xf32>
    %mul3A_13 = arith.mulf %mul3A, %mul3A_12 : vector<1024x64xf32>
    %add3A = arith.addf %dot_general3A_5, %mul3A_13 : vector<1024x64xf32>
    %get3A_14 = arith.constant 0 : index
    %get3A_15 = arith.constant 0 : index
    %get3A_16 = vector.load %arg4[%get3A_14, %get3A_15] : memref<1x64xf32, #tpu.memory_space<vmem>>, vector<1x64xf32>
    %add3A_17 = vector.broadcast %get3A_16 : vector<1x64xf32> to vector<1024x64xf32>
    %add3A_18 = arith.addf %add3A, %add3A_17 : vector<1024x64xf32>
    %tanh3A = math.tanh %add3A_18 : vector<1024x64xf32>
    %get3A_19 = arith.constant 0 : index
    %get3A_20 = arith.constant 0 : index
    %get3A_21 = vector.load %arg5[%get3A_19, %get3A_20] : memref<64x64xf32, #tpu.memory_space<vmem>>, vector<64x64xf32>
    %dot_general3A_22 = arith.constant dense<0.000000e+00> : vector<1024x64xf32>
    %dot_general3A_23 = tpu.matmul %tanh3A, %get3A_21, %dot_general3A_22 {dimension_numbers = #tpu.dot_dimension_numbers<[1], [0], [0], [1], [0, 0, 1, 1], [], []>, transpose_lhs_hint = false} : vector<1024x64xf32>, vector<64x64xf32>, vector<1024x64xf32> -> vector<1024x64xf32>
    %get3A_24 = arith.constant 0 : index
    %get3A_25 = arith.constant 0 : index
    %get3A_26 = vector.load %arg6[%get3A_24, %get3A_25] : memref<1x64xf32, #tpu.memory_space<vmem>>, vector<1x64xf32>
    %add3A_27 = vector.broadcast %get3A_26 : vector<1x64xf32> to vector<1024x64xf32>
    %add3A_28 = arith.addf %dot_general3A_23, %add3A_27 : vector<1024x64xf32>
    %get3A_29 = arith.constant 0 : index
    %get3A_30 = arith.constant 0 : index
    %get3A_31 = vector.load %arg7[%get3A_29, %get3A_30] : memref<1024x64xf32, #tpu.memory_space<vmem>>, vector<1024x64xf32>
    %mul3A_32 = arith.mulf %add3A_28, %get3A_31 : vector<1024x64xf32>
    %swap3A = arith.constant 0 : index
    %swap3A_33 = arith.constant 0 : index
    %swap3A_34 = vector.load %arg10[%swap3A, %swap3A_33] : memref<1024x64xf32, #tpu.memory_space<vmem>>, vector<1024x64xf32>
    tpu.vector_store %arg10[%swap3A, %swap3A_33], %mul3A_32 {strides = array<i32>} : memref<1024x64xf32, #tpu.memory_space<vmem>>, vector<1024x64xf32>,
    %get3A_35 = arith.constant 0 : index
    %get3A_36 = arith.constant 0 : index
    %get3A_37 = vector.load %arg0[%get3A_35, %get3A_36] : memref<1024x16xf32, #tpu.memory_space<vmem>>, vector<1024x16xf32>
    %get3A_38 = arith.constant 0 : index
    %get3A_39 = arith.constant 0 : index
    %get3A_40 = vector.load %arg8[%get3A_38, %get3A_39] : memref<16x64xf32, #tpu.memory_space<vmem>>, vector<16x64xf32>
    %dot_general3A_41 = arith.constant dense<0.000000e+00> : vector<1024x64xf32>
    %dot_general3A_42 = tpu.matmul %get3A_37, %get3A_40, %dot_general3A_41 {dimension_numbers = #tpu.dot_dimension_numbers<[1], [0], [0], [1], [0, 0, 1, 1], [], []>, transpose_lhs_hint = false} : vector<1024x16xf32>, vector<16x64xf32>, vector<1024x64xf32> -> vector<1024x64xf32>
    %get3A_43 = arith.constant 0 : index
    %get3A_44 = arith.constant 0 : index
    %get3A_45 = vector.load %arg0[%get3A_43, %get3A_44] : memref<1024x16xf32, #tpu.memory_space<vmem>>, vector<1024x16xf32>
    %get3A_46 = arith.constant 0 : index
    %get3A_47 = arith.constant 0 : index
    %get3A_48 = vector.load %arg9[%get3A_46, %get3A_47] : memref<16x64xf32, #tpu.memory_space<vmem>>, vector<16x64xf32>
    %dot_general3A_49 = arith.constant dense<0.000000e+00> : vector<1024x64xf32>
    %dot_general3A_50 = tpu.matmul %get3A_45, %get3A_48, %dot_general3A_49 {dimension_numbers = #tpu.dot_dimension_numbers<[1], [0], [0], [1], [0, 0, 1, 1], [], []>, transpose_lhs_hint = false} : vector<1024x16xf32>, vector<16x64xf32>, vector<1024x64xf32> -> vector<1024x64xf32>
    %concatenate3A = tpu.concatenate %dot_general3A_42, %dot_general3A_50 in 1 : vector<1024x64xf32>, vector<1024x64xf32> -> vector<1024x128xf32>
    %swap3A_51 = arith.constant 0 : index
    %swap3A_52 = arith.constant 0 : index
    %swap3A_53 = vector.load %arg11[%swap3A_51, %swap3A_52] : memref<1024x128xf32, #tpu.memory_space<vmem>>, vector<1024x128xf32>
    tpu.vector_store %arg11[%swap3A_51, %swap3A_52], %concatenate3A {strides = array<i32>} : memref<1024x128xf32, #tpu.memory_space<vmem>>, vector<1024x128xf32>,
    return
  }
}

module attributes {stable_mosaic.version = 14 : i64} {
  func.func @_base_body(%arg0: i32, %arg1: memref<128x8xf32, #tpu.memory_space<vmem>>, %arg2: memref<128x8192xf32, #tpu.memory_space<vmem>>) attributes {dimension_semantics = [#tpu.dimension_semantics<arbitrary>], iteration_bounds = array<i64: 64>, scalar_prefetch = 0 : i64, scratch_operands = 0 : i64, tpu.core_type = #tpu.core_type<tc>, window_params = [{transform_indices = @transform_0, window_bounds = array<i64: 128, 8>}, {transform_indices = @transform_1, window_bounds = array<i64: 128, 8192>}]} {
    %get3A = arith.constant 0 : index
    %get3A_0 = arith.constant 0 : index
    %get3A_1 = vector.load %arg1[%get3A, %get3A_0] : memref<128x8xf32, #tpu.memory_space<vmem>>, vector<128x8xf32>
    %iota3A = tpu.iota {dimensions = array<i32: 0>} : vector<8x128xi32>
    %iota3A_2 = tpu.iota {dimensions = array<i32: 1>} : vector<8x128xi32>
    %jit3A = arith.constant 8 : i32
    %eq3A = arith.constant 0 : i32
    %eq3A_3 = arith.cmpi eq, %jit3A, %eq3A : i32
    %jit3A_4 = arith.constant 1 : i32
    %select_n3A = arith.select %eq3A_3, %jit3A_4, %jit3A : i32
    %rem3A = vector.broadcast %select_n3A : i32 to vector<8x128xi32>
    %rem3A_5 = arith.remsi %iota3A_2, %rem3A : vector<8x128xi32>
    %ne3A = arith.constant 0 : i32
    %ne3A_6 = vector.broadcast %ne3A : i32 to vector<8x128xi32>
    %ne3A_7 = arith.cmpi ne, %rem3A_5, %ne3A_6 : vector<8x128xi32>
    %lt3A = arith.constant 0 : i32
    %lt3A_8 = vector.broadcast %lt3A : i32 to vector<8x128xi32>
    %lt3A_9 = arith.cmpi slt, %rem3A_5, %lt3A_8 : vector<8x128xi32>
    %lt3A_10 = arith.constant 0 : i32
    %lt3A_11 = arith.cmpi slt, %select_n3A, %lt3A_10 : i32
    %ne3A_12 = vector.broadcast %lt3A_11 : i1 to vector<8x128xi1>
    %ne3A_13 = vector.broadcast %ne3A_12 : vector<8x128xi1> to vector<8x128xi1>
    %ne3A_14 = arith.xori %lt3A_9, %ne3A_13 : vector<8x128xi1>
    %and3A = arith.andi %ne3A_14, %ne3A_7 : vector<8x128xi1>
    %add3A = vector.broadcast %select_n3A : i32 to vector<8x128xi32>
    %add3A_15 = arith.addi %rem3A_5, %add3A : vector<8x128xi32>
    %select_n3A_16 = arith.select %and3A, %add3A_15, %rem3A_5 : vector<8x128xi1>, vector<8x128xi32>
    %eq3A_17 = arith.cmpi eq, %select_n3A_16, %iota3A : vector<8x128xi32>
    %convert_element_type3A = arith.extui %eq3A_17 : vector<8x128xi1> to vector<8x128xi32>
    %convert_element_type3A_18 = arith.sitofp %convert_element_type3A : vector<8x128xi32> to vector<8x128xf32>
    %iota3A_19 = tpu.iota {dimensions = array<i32: 0>} : vector<128x128xi32>
    %iota3A_20 = tpu.iota {dimensions = array<i32: 1>} : vector<128x128xi32>
    %dot_general3A = arith.constant dense<0.000000e+00> : vector<128x128xf32>
    %dot_general3A_21 = tpu.matmul %get3A_1, %convert_element_type3A_18, %dot_general3A {dimension_numbers = #tpu.dot_dimension_numbers<[1], [0], [0], [1], [0, 0, 1, 1], [], []>, transpose_lhs_hint = false} : vector<128x8xf32>, vector<8x128xf32>, vector<128x128xf32> -> vector<128x128xf32>
    %jit3A_22 = arith.constant 8 : i32
    %div3A = vector.broadcast %jit3A_22 : i32 to vector<128x128xi32>
    %div3A_23 = arith.divsi %iota3A_19, %div3A : vector<128x128xi32>
    %sign3A = arith.constant 0 : i32
    %sign3A_24 = vector.broadcast %sign3A : i32 to vector<128x128xi32>
    %sign3A_25 = arith.cmpi sgt, %iota3A_19, %sign3A_24 : vector<128x128xi32>
    %sign3A_26 = arith.extui %sign3A_25 : vector<128x128xi1> to vector<128x128xi32>
    %sign3A_27 = arith.constant 0 : i32
    %sign3A_28 = vector.broadcast %sign3A_27 : i32 to vector<128x128xi32>
    %sign3A_29 = arith.cmpi slt, %iota3A_19, %sign3A_28 : vector<128x128xi32>
    %sign3A_30 = arith.extui %sign3A_29 : vector<128x128xi1> to vector<128x128xi32>
    %sign3A_31 = arith.subi %sign3A_26, %sign3A_30 : vector<128x128xi32>
    %sign3A_32 = arith.constant 0 : i32
    %sign3A_33 = arith.cmpi sgt, %jit3A_22, %sign3A_32 : i32
    %sign3A_34 = arith.extui %sign3A_33 : i1 to i32
    %sign3A_35 = arith.constant 0 : i32
    %sign3A_36 = arith.cmpi slt, %jit3A_22, %sign3A_35 : i32
    %sign3A_37 = arith.extui %sign3A_36 : i1 to i32
    %sign3A_38 = arith.subi %sign3A_34, %sign3A_37 : i32
    %ne3A_39 = vector.broadcast %sign3A_38 : i32 to vector<128x128xi32>
    %ne3A_40 = arith.cmpi ne, %sign3A_31, %ne3A_39 : vector<128x128xi32>
    %rem3A_41 = vector.broadcast %jit3A_22 : i32 to vector<128x128xi32>
    %rem3A_42 = arith.remsi %iota3A_19, %rem3A_41 : vector<128x128xi32>
    %ne3A_43 = arith.constant 0 : i32
    %ne3A_44 = vector.broadcast %ne3A_43 : i32 to vector<128x128xi32>
    %ne3A_45 = arith.cmpi ne, %rem3A_42, %ne3A_44 : vector<128x128xi32>
    %and3A_46 = arith.andi %ne3A_40, %ne3A_45 : vector<128x128xi1>
    %sub3A = arith.constant 1 : i32
    %sub3A_47 = vector.broadcast %sub3A : i32 to vector<128x128xi32>
    %sub3A_48 = arith.subi %div3A_23, %sub3A_47 : vector<128x128xi32>
    %select_n3A_49 = arith.select %and3A_46, %sub3A_48, %div3A_23 : vector<128x128xi1>, vector<128x128xi32>
    %jit3A_50 = arith.constant 8 : i32
    %div3A_51 = vector.broadcast %jit3A_50 : i32 to vector<128x128xi32>
    %div3A_52 = arith.divsi %iota3A_20, %div3A_51 : vector<128x128xi32>
    %sign3A_53 = arith.constant 0 : i32
    %sign3A_54 = vector.broadcast %sign3A_53 : i32 to vector<128x128xi32>
    %sign3A_55 = arith.cmpi sgt, %iota3A_20, %sign3A_54 : vector<128x128xi32>
    %sign3A_56 = arith.extui %sign3A_55 : vector<128x128xi1> to vector<128x128xi32>
    %sign3A_57 = arith.constant 0 : i32
    %sign3A_58 = vector.broadcast %sign3A_57 : i32 to vector<128x128xi32>
    %sign3A_59 = arith.cmpi slt, %iota3A_20, %sign3A_58 : vector<128x128xi32>
    %sign3A_60 = arith.extui %sign3A_59 : vector<128x128xi1> to vector<128x128xi32>
    %sign3A_61 = arith.subi %sign3A_56, %sign3A_60 : vector<128x128xi32>
    %sign3A_62 = arith.constant 0 : i32
    %sign3A_63 = arith.cmpi sgt, %jit3A_50, %sign3A_62 : i32
    %sign3A_64 = arith.extui %sign3A_63 : i1 to i32
    %sign3A_65 = arith.constant 0 : i32
    %sign3A_66 = arith.cmpi slt, %jit3A_50, %sign3A_65 : i32
    %sign3A_67 = arith.extui %sign3A_66 : i1 to i32
    %sign3A_68 = arith.subi %sign3A_64, %sign3A_67 : i32
    %ne3A_69 = vector.broadcast %sign3A_68 : i32 to vector<128x128xi32>
    %ne3A_70 = arith.cmpi ne, %sign3A_61, %ne3A_69 : vector<128x128xi32>
    %rem3A_71 = vector.broadcast %jit3A_50 : i32 to vector<128x128xi32>
    %rem3A_72 = arith.remsi %iota3A_20, %rem3A_71 : vector<128x128xi32>
    %ne3A_73 = arith.constant 0 : i32
    %ne3A_74 = vector.broadcast %ne3A_73 : i32 to vector<128x128xi32>
    %ne3A_75 = arith.cmpi ne, %rem3A_72, %ne3A_74 : vector<128x128xi32>
    %and3A_76 = arith.andi %ne3A_70, %ne3A_75 : vector<128x128xi1>
    %sub3A_77 = arith.constant 1 : i32
    %sub3A_78 = vector.broadcast %sub3A_77 : i32 to vector<128x128xi32>
    %sub3A_79 = arith.subi %div3A_52, %sub3A_78 : vector<128x128xi32>
    %select_n3A_80 = arith.select %and3A_76, %sub3A_79, %div3A_52 : vector<128x128xi1>, vector<128x128xi32>
    %eq3A_81 = arith.cmpi eq, %select_n3A_49, %select_n3A_80 : vector<128x128xi32>
    %convert_element_type3A_82 = arith.extui %eq3A_81 : vector<128x128xi1> to vector<128x128xi32>
    %convert_element_type3A_83 = arith.sitofp %convert_element_type3A_82 : vector<128x128xi32> to vector<128x128xf32>
    %mul3A = arith.mulf %dot_general3A_21, %convert_element_type3A_83 : vector<128x128xf32>
    %broadcast_in_dim3A = arith.constant 0.000000e+00 : f32
    %broadcast_in_dim3A_84 = vector.broadcast %broadcast_in_dim3A : f32 to vector<128x8192xf32>
    %swap3A = arith.constant 0 : index
    %swap3A_85 = arith.constant 0 : index
    %swap3A_86 = vector.load %arg2[%swap3A, %swap3A_85] : memref<128x8192xf32, #tpu.memory_space<vmem>>, vector<128x8192xf32>
    tpu.vector_store %arg2[%swap3A, %swap3A_85], %broadcast_in_dim3A_84 {strides = array<i32>} : memref<128x8192xf32, #tpu.memory_space<vmem>>, vector<128x8192xf32>,
    %mul3A_87 = arith.constant 128 : i32
    %mul3A_88 = arith.muli %arg0, %mul3A_87 : i32
    %multiple_of3A = tpu.assume_multiple %mul3A_88, 128 : i32
    %swap3A_89 = arith.constant 0 : index
    %swap3A_90 = arith.index_cast %multiple_of3A : i32 to index
    %swap3A_91 = vector.load %arg2[%swap3A_89, %swap3A_90] : memref<128x8192xf32, #tpu.memory_space<vmem>>, vector<128x128xf32>
    tpu.vector_store %arg2[%swap3A_89, %swap3A_90], %mul3A {strides = array<i32>} : memref<128x8192xf32, #tpu.memory_space<vmem>>, vector<128x128xf32>,
    return
  }
  func.func @transform_0(%arg0: i32) -> (i32, i32) {
    %c0_i32 = arith.constant 0 : i32
    %c0_i32_0 = arith.constant 0 : i32
    return %arg0, %c0_i32 : i32, i32
  }
  func.func @transform_1(%arg0: i32) -> (i32, i32) {
    %c0_i32 = arith.constant 0 : i32
    %c0_i32_0 = arith.constant 0 : i32
    return %arg0, %c0_i32 : i32, i32
  }
}

module attributes {stable_mosaic.version = 14 : i64} {
  func.func @_off_body(%arg0: i32, %arg1: memref<4096x64xf32, #tpu.memory_space<vmem>>, %arg2: memref<4096x128xf32, #tpu.memory_space<vmem>>, %arg3: memref<4096x1xi32, #tpu.memory_space<vmem>>, %arg4: memref<1x64xf32, #tpu.memory_space<vmem>>, %arg5: memref<1x64xf32, #tpu.memory_space<vmem>>, %arg6: memref<64x64xf32, #tpu.memory_space<vmem>>, %arg7: memref<1x64xf32, #tpu.memory_space<vmem>>, %arg8: memref<4096x64xf32, #tpu.memory_space<vmem>>, %arg9: memref<4096x64xf32, #tpu.memory_space<vmem>>) attributes {dimension_semantics = [#tpu.dimension_semantics<arbitrary>], iteration_bounds = array<i64: 8>, scalar_prefetch = 0 : i64, scratch_operands = 0 : i64, tpu.core_type = #tpu.core_type<tc>, window_params = [{transform_indices = @transform_0, window_bounds = array<i64: 4096, 64>}, {transform_indices = @transform_1, window_bounds = array<i64: 4096, 128>}, {transform_indices = @transform_2, window_bounds = array<i64: 4096, 1>}, {pipeline_mode = #tpu.pipeline_mode<synchronous>, transform_indices = @transform_3, window_bounds = array<i64: 1, 64>}, {pipeline_mode = #tpu.pipeline_mode<synchronous>, transform_indices = @transform_4, window_bounds = array<i64: 1, 64>}, {pipeline_mode = #tpu.pipeline_mode<synchronous>, transform_indices = @transform_5, window_bounds = array<i64: 64, 64>}, {pipeline_mode = #tpu.pipeline_mode<synchronous>, transform_indices = @transform_6, window_bounds = array<i64: 1, 64>}, {transform_indices = @transform_7, window_bounds = array<i64: 4096, 64>}, {transform_indices = @transform_8, window_bounds = array<i64: 4096, 64>}]} {
    %iota3A = tpu.iota {dimensions = array<i32: 1>} : vector<4096x128xi32>
    %get3A = arith.constant 0 : index
    %get3A_0 = arith.constant 0 : index
    %get3A_1 = vector.load %arg3[%get3A, %get3A_0] : memref<4096x1xi32, #tpu.memory_space<vmem>>, vector<4096x1xi32>
    %eq3A = vector.broadcast %get3A_1 : vector<4096x1xi32> to vector<4096x128xi32>
    %eq3A_2 = arith.cmpi eq, %iota3A, %eq3A : vector<4096x128xi32>
    %convert_element_type3A = arith.extui %eq3A_2 : vector<4096x128xi1> to vector<4096x128xi32>
    %convert_element_type3A_3 = arith.sitofp %convert_element_type3A : vector<4096x128xi32> to vector<4096x128xf32>
    %get3A_4 = arith.constant 0 : index
    %get3A_5 = arith.constant 0 : index
    %get3A_6 = vector.load %arg2[%get3A_4, %get3A_5] : memref<4096x128xf32, #tpu.memory_space<vmem>>, vector<4096x128xf32>
    %mul3A = arith.mulf %get3A_6, %convert_element_type3A_3 : vector<4096x128xf32>
    %reduce_sum3A = arith.constant dense<0.000000e+00> : vector<4096xf32>
    %reduce_sum3A_7 = vector.multi_reduction <add>, %mul3A, %reduce_sum3A [1] : vector<4096x128xf32> to vector<4096xf32>
    %broadcast_in_dim3A = vector.shape_cast %reduce_sum3A_7 : vector<4096xf32> to vector<4096x1xf32>
    %get3A_8 = arith.constant 0 : index
    %get3A_9 = arith.constant 0 : index
    %get3A_10 = vector.load %arg1[%get3A_8, %get3A_9] : memref<4096x64xf32, #tpu.memory_space<vmem>>, vector<4096x64xf32>
    %get3A_11 = arith.constant 0 : index
    %get3A_12 = arith.constant 0 : index
    %get3A_13 = vector.load %arg4[%get3A_11, %get3A_12] : memref<1x64xf32, #tpu.memory_space<vmem>>, vector<1x64xf32>
    %mul3A_14 = vector.broadcast %broadcast_in_dim3A : vector<4096x1xf32> to vector<4096x64xf32>
    %mul3A_15 = vector.broadcast %get3A_13 : vector<1x64xf32> to vector<4096x64xf32>
    %mul3A_16 = arith.mulf %mul3A_14, %mul3A_15 : vector<4096x64xf32>
    %add3A = arith.addf %get3A_10, %mul3A_16 : vector<4096x64xf32>
    %get3A_17 = arith.constant 0 : index
    %get3A_18 = arith.constant 0 : index
    %get3A_19 = vector.load %arg5[%get3A_17, %get3A_18] : memref<1x64xf32, #tpu.memory_space<vmem>>, vector<1x64xf32>
    %add3A_20 = vector.broadcast %get3A_19 : vector<1x64xf32> to vector<4096x64xf32>
    %add3A_21 = arith.addf %add3A, %add3A_20 : vector<4096x64xf32>
    %tanh3A = math.tanh %add3A_21 : vector<4096x64xf32>
    %get3A_22 = arith.constant 0 : index
    %get3A_23 = arith.constant 0 : index
    %get3A_24 = vector.load %arg6[%get3A_22, %get3A_23] : memref<64x64xf32, #tpu.memory_space<vmem>>, vector<64x64xf32>
    %dot_general3A = arith.constant dense<0.000000e+00> : vector<4096x64xf32>
    %dot_general3A_25 = tpu.matmul %tanh3A, %get3A_24, %dot_general3A {dimension_numbers = #tpu.dot_dimension_numbers<[1], [0], [0], [1], [0, 0, 1, 1], [], []>, transpose_lhs_hint = false} : vector<4096x64xf32>, vector<64x64xf32>, vector<4096x64xf32> -> vector<4096x64xf32>
    %get3A_26 = arith.constant 0 : index
    %get3A_27 = arith.constant 0 : index
    %get3A_28 = vector.load %arg7[%get3A_26, %get3A_27] : memref<1x64xf32, #tpu.memory_space<vmem>>, vector<1x64xf32>
    %add3A_29 = vector.broadcast %get3A_28 : vector<1x64xf32> to vector<4096x64xf32>
    %add3A_30 = arith.addf %dot_general3A_25, %add3A_29 : vector<4096x64xf32>
    %get3A_31 = arith.constant 0 : index
    %get3A_32 = arith.constant 0 : index
    %get3A_33 = vector.load %arg8[%get3A_31, %get3A_32] : memref<4096x64xf32, #tpu.memory_space<vmem>>, vector<4096x64xf32>
    %mul3A_34 = arith.mulf %add3A_30, %get3A_33 : vector<4096x64xf32>
    %swap3A = arith.constant 0 : index
    %swap3A_35 = arith.constant 0 : index
    %swap3A_36 = vector.load %arg9[%swap3A, %swap3A_35] : memref<4096x64xf32, #tpu.memory_space<vmem>>, vector<4096x64xf32>
    tpu.vector_store %arg9[%swap3A, %swap3A_35], %mul3A_34 {strides = array<i32>} : memref<4096x64xf32, #tpu.memory_space<vmem>>, vector<4096x64xf32>,
    return
  }
  func.func @transform_0(%arg0: i32) -> (i32, i32) {
    %c0_i32 = arith.constant 0 : i32
    %c0_i32_0 = arith.constant 0 : i32
    return %arg0, %c0_i32 : i32, i32
  }
  func.func @transform_1(%arg0: i32) -> (i32, i32) {
    %c0_i32 = arith.constant 0 : i32
    %c0_i32_0 = arith.constant 0 : i32
    return %arg0, %c0_i32 : i32, i32
  }
  func.func @transform_2(%arg0: i32) -> (i32, i32) {
    %c0_i32 = arith.constant 0 : i32
    %c0_i32_0 = arith.constant 0 : i32
    return %arg0, %c0_i32 : i32, i32
  }
  func.func @transform_3(%arg0: i32) -> (i32, i32) {
    %c0_i32 = arith.constant 0 : i32
    %c0_i32_0 = arith.constant 0 : i32
    %c0_i32_1 = arith.constant 0 : i32
    return %c0_i32, %c0_i32_0 : i32, i32
  }
  func.func @transform_4(%arg0: i32) -> (i32, i32) {
    %c0_i32 = arith.constant 0 : i32
    %c0_i32_0 = arith.constant 0 : i32
    %c0_i32_1 = arith.constant 0 : i32
    return %c0_i32, %c0_i32_0 : i32, i32
  }
  func.func @transform_5(%arg0: i32) -> (i32, i32) {
    %c0_i32 = arith.constant 0 : i32
    %c0_i32_0 = arith.constant 0 : i32
    %c0_i32_1 = arith.constant 0 : i32
    return %c0_i32, %c0_i32_0 : i32, i32
  }
  func.func @transform_6(%arg0: i32) -> (i32, i32) {
    %c0_i32 = arith.constant 0 : i32
    %c0_i32_0 = arith.constant 0 : i32
    %c0_i32_1 = arith.constant 0 : i32
    return %c0_i32, %c0_i32_0 : i32, i32
  }
  func.func @transform_7(%arg0: i32) -> (i32, i32) {
    %c0_i32 = arith.constant 0 : i32
    %c0_i32_0 = arith.constant 0 : i32
    return %arg0, %c0_i32 : i32, i32
  }
  func.func @transform_8(%arg0: i32) -> (i32, i32) {
    %c0_i32 = arith.constant 0 : i32
    %c0_i32_0 = arith.constant 0 : i32
    return %arg0, %c0_i32 : i32, i32
  }
}

</mosaic_0001>

<sc_bundles>
// kernel: kernel.6.cloned.1.call-start
scs
__scs_entry_jumppad:
0x0: {  	(pc) =	sbr.rel $0x88, $3  }
0x1: {  	(tag) =	ssettag $0x0;
	lr =	simm.s32 $0x1  }
0x2: {  	[smem:$0x3F94] =	sst lr;
	_ =	strace $0xD0000000  }
0x3: {  	_ = 	snop  }
0x4: {  	_ = 	snop  }
0x5: {  	_ = 	snop  }
0x6: {  	_ = 	snop  }
0x7: {  	_ = 	snop  }
__scs_overlays_trampoline_lowered:
0x8: {  	[smem:$0x3FA3] =	sst s0  }
0x9: {  	[smem:$0x3FA4] =	sst s1  }
0xa: {  	[smem:$0x3FA5] =	sst s2  }
0xb: {  	[smem:$0x3FA6] =	sst s3  }
0xc: {  	[smem:$0x3FA7] =	sst s4  }
0xd: {  	[smem:$0x3FA8] =	sst s5  }
0xe: {  	[smem:$0x3FA9] =	sst s6  }
0xf: {  	[smem:$0x3FAA] =	sst s7  }
0x10: {  	[smem:$0x3FAB] =	sst s8  }
0x11: {  	[smem:$0x3FAC] =	sst s9;
	s0 =	simm.s32 @!p0 $0x0  }
0x12: {  	s1 =	sld [smem:$0x3F92];
	s0 =	simm.s32 @p0 $0x1  }
0x13: {  	[smem:$0x3FAD] =	sst s0;
	s0 =	simm.s32 @!p1 $0x0  }
0x14: {  	s2 =	sld [smem:$0x3F91];
	s0 =	simm.s32 @p1 $0x1  }
0x15: {  	[smem:$0x3FAE] =	sst s0;
	s0 =	simm.s32 @!p2 $0x0  }
0x16: {  	s3 =	sld [smem:$0x3FDB];
	s0 =	simm.s32 @p2 $0x1  }
0x17: {  	s4 =	simm.s32 $0x1BF5;
	[smem:$0x3FB0] =	sst s0  }
0x18: {  	s0 =	sld [smem:$0x3F93];
	_ =	swait.ge [sflag:s4], $0x0  }
0x19: {  	s7 =	sld [smem:$0x3F94]  }
0x1a: {  	s8 =	sadd.s32 $0xFFFFE003, lr  }
0x1b: {  	s9 =	sadd.s32 $0xFFFFFEF7, lr;
	s5 =	simm.s32 $0xFFFFFFFF;
	p2 =	slt.u32 s8, $0xFFFFF086  }
0x1c: {  	p1 =	slt.u32 s9, $0xF7A;
	s5 =	simm.s32 @!p2 $0x0  }
0x1d: {  	s5 =	simm.s32 @p1 $0x1;
	p0 =	seq.s32 s7, s2  }
0x1e: {  	s7 =	smul.u32 @!p0 $0xF7A, s2;
	p2 =	seq.s32 @!p0 s5, $0x0  }
0x1f: {  	s9 =	smul.u32 $0xF7A, s1;
	s8 =	simm.s32 @!p0 $0x1BF5;
	p2 =	por !p2, p0  }
0x20: {  	[sflag:s8] =	ssyncset.s32 @!p0 $0xFFFFF086;
	s6 =	sadd.s32 @!p0 s3, s7;
	s7 =	simm.s32 @!p0 $0x108  }
0x21: {  	s3 =	sadd.s32 s3, s9;
	s6 =	sadd.s32 @!p0 $0x88, s6;
	s7 =	simm.s32 @p2 $0x1082  }
0x22: {  	[simem:s7], [sflag:s8] =	dma.local @!p0 [hbm:s6], $0xF7A  }
0x23: {  	s9 =	sor.u32 $0xD0000000, s2;
	s6 =	simm.s32 $0x108;
	_ =	swait.ge @!p0 [sflag:s8], $0x0  }
0x24: {  	s3 =	sadd.s32 $0x88, s3;
	s6 =	simm.s32 @!p1 $0x1082;
	[sflag:s4] =	ssyncset.s32 $0xFFFFF086  }
0x25: {  	[simem:s6], [sflag:s4] =	dma.local [hbm:s3], $0xF7A  }
0x26: {  	[smem:$0x3F94] =	sst s1;
	(tag) =	ssettag s2;
	_ =	strace s9  }
0x27: {  	s1 =	sld [smem:$0x3FA4]  }
0x28: {  	s2 =	sld [smem:$0x3FA5]  }
0x29: {  	s4 =	sld [smem:$0x3FA7]  }
0x2a: {  	p0 =	seq.s32 s5, $0x0;
	s5 =	sld [smem:$0x3FA8]  }
0x2b: {  	s6 =	sld [smem:$0x3FA9]  }
0x2c: {  	s7 =	sld [smem:$0x3FAA]  }
0x2d: {  	s3 =	simm.s32 $0x108;
	s8 =	sld [smem:$0x3FAB]  }
0x2e: {  	s3 =	simm.s32 @!p0 $0x1082;
	s9 =	sld [smem:$0x3FAC]  }
0x2f: {  	lr =	sadd.s32 s0, s3;
	s0 =	sld [smem:$0x3FA3]  }
0x30: {  	s3 =	sld [smem:$0x3FA6]  }
0x31: {  	[smem:$0x3FAF] =	sst s10  }
0x32: {  	s10 =	sld [smem:$0x3FAD];
	_ =	sdelay $0x3  }
0x33: {  	p0 =	seq.s32 s10, $0x1;
	s10 =	sld [smem:$0x3FAF];
	_ =	sdelay $0x3  }
0x34: {  	[smem:$0x3FAF] =	sst s10  }
0x35: {  	s10 =	sld [smem:$0x3FAE];
	_ =	sdelay $0x3  }
0x36: {  	p1 =	seq.s32 s10, $0x1;
	s10 =	sld [smem:$0x3FAF];
	_ =	sdelay $0x3  }
0x37: {  	[smem:$0x3FAF] =	sst s10  }
0x38: {  	s10 =	sld [smem:$0x3FB0]  }
0x39: {  	_ = 	snop;
	(pc) =	sbr.ind lr, $3  }
0x3a: {  	_ = 	snop  }
0x3b: {  	_ = 	snop  }
0x3c: {  	p2 =	seq.s32 s10, $0x1;
	s10 =	sld [smem:$0x3FAF]  }
0x3d: {  	_ =	shalt  }
0x3e: {  	_ =	shalt  }
0x3f: {  	_ =	shalt  }
0x40: {  	_ =	shalt  }
0x41: {  	_ =	shalt  }
0x42: {  	_ =	shalt  }
0x43: {  	_ =	shalt  }
0x44: {  	_ =	shalt  }
0x45: {  	_ =	shalt  }
0x46: {  	_ =	shalt  }
0x47: {  	_ =	shalt  }
0x48: {  	_ =	shalt  }
0x49: {  	_ =	shalt  }
0x4a: {  	_ =	shalt  }
0x4b: {  	_ =	shalt  }
0x4c: {  	_ =	shalt  }
0x4d: {  	_ =	shalt  }
0x4e: {  	_ =	shalt  }
0x4f: {  	_ =	shalt  }
0x50: {  	_ =	shalt  }
0x51: {  	_ =	shalt  }
0x52: {  	_ =	shalt  }
0x53: {  	_ =	shalt  }
0x54: {  	_ =	shalt  }
0x55: {  	_ =	shalt  }
0x56: {  	_ =	shalt  }
0x57: {  	_ =	shalt  }
0x58: {  	_ =	shalt  }
0x59: {  	_ =	shalt  }
0x5a: {  	_ =	shalt  }
0x5b: {  	_ =	shalt  }
0x5c: {  	_ =	shalt  }
0x5d: {  	_ =	shalt  }
0x5e: {  	_ =	shalt  }
0x5f: {  	_ =	shalt  }
0x60: {  	_ =	shalt  }
0x61: {  	_ =	shalt  }
0x62: {  	_ =	shalt  }
0x63: {  	_ =	shalt  }
0x64: {  	_ =	shalt  }
0x65: {  	_ =	shalt  }
0x66: {  	_ =	shalt  }
0x67: {  	_ =	shalt  }
0x68: {  	_ =	shalt  }
0x69: {  	_ =	shalt  }
0x6a: {  	_ =	shalt  }
0x6b: {  	_ =	shalt  }
0x6c: {  	_ =	shalt  }
0x6d: {  	_ =	shalt  }
0x6e: {  	_ =	shalt  }
0x6f: {  	_ =	shalt  }
0x70: {  	_ =	shalt  }
0x71: {  	_ =	shalt  }
0x72: {  	_ =	shalt  }
0x73: {  	_ =	shalt  }
0x74: {  	_ =	shalt  }
0x75: {  	_ =	shalt  }
0x76: {  	_ =	shalt  }
0x77: {  	_ =	shalt  }
0x78: {  	_ =	shalt  }
0x79: {  	_ =	shalt  }
0x7a: {  	_ =	shalt  }
0x7b: {  	_ =	shalt  }
0x7c: {  	_ =	shalt  }
0x7d: {  	_ =	shalt  }
0x7e: {  	_ =	shalt  }
0x7f: {  	_ =	shalt  }
0x80: {  	_ =	shalt  }
0x81: {  	_ =	shalt  }
0x82: {  	_ =	shalt  }
0x83: {  	_ =	shalt  }
0x84: {  	_ =	shalt  }
0x85: {  	_ =	shalt  }
0x86: {  	_ =	shalt  }
0x87: {  	_ =	shalt  }
.Lfunc_end0:
.L_simem_size_0:
called_computation.1_lowered:
.L_overlay_start_0:
0x88: {  	s2 =	sld [smem:$0x3FD9]  }
0x89: {  	s3 =	sld [smem:$0x3FFE];
	_ =	sdelay $0x1  }
0x8a: {  	s1 =	srdreg.scid  }
0x8b: {  	s0 =	sand.u32 $0x1, s1  }
0x8c: {  	s16 =	sshll.u32 s0, $0xA;
	s2 =	sadd.s32 s3, s2  }
0x8d: {  	s2 =	sadd.s32 s2, s16  }
0x8e: {  	[smem:$0x3FBB] =	sst s2  }
0x8f: {  	_ = 	snop  }
0x90: {  	(tm) =	ssettm $0x1  }
0x91: {  	s17 =	sld [smem:$0x3FFB];
	_ =	sdelay $0x3  }
0x92: {  	_ =	strace s17  }
0x93: {  	s2 =	sld [smem:$0x3FFC];
	_ =	sdelay $0x3  }
0x94: {  	_ =	strace s2  }
0x95: {  	s2 =	sld [smem:$0x3FFD];
	_ =	sdelay $0x3  }
0x96: {  	_ =	strace s2  }
0x97: {  	_ =	strace $0x8FFFFFFF  }
0x98: {  	s18 =	sld [smem:$0x3FDB];
	_ =	sdelay $0x1  }
0x99: {  	s19 =	simm.s32 $_scs_section_size  }
0x9a: {  	s4 =	simm.s32 $_size__tile_overlayer_lowered;
	s5 =	simm.s32 $_tile_overlayer_lowered  }
0x9b: {  	s22 =	simm.s32 $0x1BFF;
	s21 =	sshll.u32 s5, $0x1;
	s2 =	sadd.s32 s19, s18  }
0x9c: {  	s6 =	simm.s32 $0x0;
	s20 =	sshll.u32 s4, $0x1;
	s4 =	sadd.s32 s21, s2  }
0x9d: {  	[timem:s6], [sflag:s22] =	dma.local [hbm:s4], s20  }
0x9e: {  	_ =	swait.ge [sflag:s22], s20  }
0x9f: {  	s3 =	ssub.s32 $0x0, s20;
	[sflag:s22] =	ssyncset.done $0x0  }
0xa0: {  	[sflag:s22] =	ssyncadd.s32 s3;
	_ =	sdelay $0x1  }
0xa1: {  	s23 =	simm.s32 $0x1B8B  }
0xa2: {  	_ =	swait.ge [sflag:s23], $0x1  }
0xa3: {  	[sflag:s23] =	ssyncset.done $0x0  }
0xa4: {  	s25 =	simm.s32 $0x1B8E;
	s24 =	sld [smem:$0x3FFE];
	[sflag:s23] =	ssyncadd.s32 $0xFFFFFFFF  }
0xa5: {  	s26 =	simm.s32 $execute0_lowered;
	[smem:$0x3FD2] =	sst s25  }
0xa6: {  	s4 =	sshll.u32 s26, $0x1;
	_ =	strace $0x80000046;
	[dreg:$0x1] =	wrdreg $0xFFFFFFFF  }
0xa7: {  	s28 =	simm.s32 $_size_execute0_lowered;
	s2 =	sadd.s32 s2, s4;
	[dreg:$0x0] =	wrdreg $0x0  }
0xa8: {  	s4 =	sshll.u32 s28, $0x1;
	[dreg:$0x2] =	wrdreg s2  }
0xa9: {  	[dreg:$0x3] =	wrdreg s4  }
0xaa: {  	[dreg:$0x4] =	wrdreg $0xC0  }
0xab: {  	_ =	task [dreg:s6], $0x5FFFF  }
0xac: {  	[dreg:$0x1] =	wrdreg $0xFFFFFFFF  }
0xad: {  	[dreg:$0x0] =	wrdreg $0x60  }
0xae: {  	[dreg:$0x2] =	wrdreg s24  }
0xaf: {  	[dreg:$0x3] =	wrdreg $0xA  }
0xb0: {  	_ =	task.clear_ibuf [dreg:s6], $0x4FFFF;
	_ =	strace $0x90000046  }
0xb1: {  	s29 =	simm.s32 $0xA;
	_ =	strace $0x80000048  }
0xb2: {  	_ =	swait.ge [sflag:s29], $0x1  }
0xb3: {  	[sflag:s29] =	ssyncadd.s32 $0xFFFFFFFF  }
0xb4: {  	_ =	strace $0x90000048  }
0xb5: {  	_ =	sfence  }
0xb6: {  	s30 =	sld [smem:$0x0];
	_ =	sdelay $0x2  }
0xb7: {  	s31 =	sshll.u32 s1, $0xD;
	s1 =	sshrl.u32 s1, $0x2  }
0xb8: {  	s3 =	sand.u32 $0x4000, s31;
	s1 =	sadd.s32 s1, s30  }
0xb9: {  	s0 =	sor.u32 s3, s0;
	s1 =	sshll.u32 s1, $0x11  }
0xba: {  	s0 =	sor.u32 s1, s0  }
0xbb: {  	s0 =	sadd.s32 $0x8F2B, s0  }
0xbc: {  	[sflag:s0] =	ssyncadd.remote.s32 $0x1  }
0xbd: {  	_ =	sfence.sel $0xFFFF  }
0xbe: {  	[dreg:$0x0] =	wrdreg $0xFFFFFFFF;
	(pc) =	sbr.abs _section_cstart, $3  }
0xbf: {  	[dreg:$0x1] =	wrdreg $0xFFFFFFFF  }
0xc0: {  	_ =	task.clear_ibuf [dreg:s6], $0x2FFFF;
	_ =	strace $0x9FFFFFFF  }
0xc1: {  	(tm) =	ssettm $0x7FFFFFFF  }
tec
execute0_lowered:
.L_overlay_start_1:
0x0: {  	(tag) =	ssettag $0x1  }
0x1: {  	s8 =	rddreg [dreg:$0x0]  }
0x2: {  	s0 =	rddreg [dreg:$0x1];
	s1 =	simm.s32 $0x0  }
0x3: {  	s4 =	srdreg.scid;
	s12 =	simm.s32 $0x80;
	s13 =	simm.s32 $0x180  }
0x4: {  	s14 =	simm.s32 $0x1;
	s15 =	simm.s32 $0x4180;
	s16 =	simm.s32 $0x100  }
0x5: {  	s17 =	simm.s32 $0x8180;
	s18 =	simm.s32 $0xC180;
	s19 =	simm.s32 $0x0  }
0x6: {  	[smem:$0x7FF] =	sst s1;
	s2 =	sadd.s32 $0x24E00, s8;
	s3 =	sadd.s32 $0x2E00, s8  }
0x7: {  	s9 =	sand.u32 $0x1, s4;
	s5 =	sadd.s32 $0x22E00, s8;
	s6 =	sadd.s32 $0x23E00, s8  }
0x8: {  	s7 =	sadd.s32 $0x28E00, s8;
	s4 =	stileid.u32;
	s10 =	ssub.s32 $0x2, s9  }
0x9: {  	s8 =	sadd.s32 $0xA8E00, s8;
	_ =	strace $0x80000047;
	s11 =	sshrl.u32 s10, $0x1  }
0xa: {  	s31 =	sshll.u32 s4, $0xB;
	s9 =	sshll.u32 s9, $0xA;
	s10 =	ssub.s32 s10, s11  }
0xb: {  	s9 =	sor.u32 s9, s31;
	s11 =	simm.s32 $0x2;
	s10 =	smax.u32 s10, $0x1  }
.LBB2_1:
0xc: {  	s20 =	simm.s32 $0x0  }
.LBB2_2:
0xd: {  	s21 =	sshll.u32 s20, $0x7  }
0xe: {  	s21 =	sadd.s32 s9, s21  }
0xf: {  	s22 =	sshrl.u32 s21, $0x3  }
0x10: {  	s24 =	simm.s32 $0x0;
	s23 =	sadd.s32 s5, s22  }
0x11: {  	[tilespmem:s24], [sflag:$0x2] =	stream.linear.gather [hbm4b:s23+s24], $0x80, $0x38;
	[tilespmem:$0x10180] =	vst v63  }
0x12: {  	_ =	swait.ge [sflag:s11], $0x80  }
0x13: {  	[sflag:s11] =	ssyncset.done $0x0  }
0x14: {  	s22 =	sadd.s32 s6, s22;
	[sflag:s11] =	ssyncadd.s32 $0xFFFFFF80  }
0x15: {  	[tilespmem:s12], [sflag:$0x2] =	stream.linear.gather [hbm4b:s22+s24], $0x80, $0x38;
	[tilespmem:$0x10180] =	vst v63  }
0x16: {  	_ =	swait.ge [sflag:s11], $0x80  }
0x17: {  	[sflag:s11] =	ssyncset.done $0x0  }
0x18: {  	[sflag:s11] =	ssyncadd.s32 $0xFFFFFF80  }
0x19: {  	v0 =	vld [tilespmem:$0x0]  }
0x1a: {  	v1 =	vld [tilespmem:$0x80]  }
0x1b: {  	v2 =	vld [tilespmem:$0x10]  }
0x1c: {  	v3 =	vld [tilespmem:$0x90]  }
0x1d: {  	v4 =	vld [tilespmem:$0x20]  }
0x1e: {  	v5 =	vld [tilespmem:$0xA0]  }
0x1f: {  	v6 =	vld [tilespmem:$0x30]  }
0x20: {  	v7 =	vld [tilespmem:$0xB0]  }
0x21: {  	v8 =	vld [tilespmem:$0x40]  }
0x22: {  	v9 =	vld [tilespmem:$0xC0]  }
0x23: {  	v10 =	vld [tilespmem:$0x50]  }
0x24: {  	v11 =	vld [tilespmem:$0xD0]  }
0x25: {  	v12 =	vld [tilespmem:$0x60];
	v0 =	vshll.u32 v0, $0xA  }
0x26: {  	v0 =	vadd.s32 v1, v0;
	v1 =	vshll.u32 v2, $0xA;
	v2 =	vld [tilespmem:$0xE0]  }
0x27: {  	v0 =	vshrl.u32 v0, $0x7;
	v1 =	vadd.s32 v3, v1;
	v3 =	vshll.u32 v4, $0xA;
	v4 =	vld [tilespmem:$0x70]  }
0x28: {  	[tilespmem:$0x100] =	vst v0;
	v0 =	vshrl.u32 v1, $0x7;
	v1 =	vadd.s32 v5, v3;
	v3 =	vshll.u32 v6, $0xA;
	v5 =	vld [tilespmem:$0xF0]  }
0x29: {  	[tilespmem:$0x110] =	vst v0;
	v0 =	vadd.s32 v7, v3;
	v1 =	vshrl.u32 v1, $0x7;
	v3 =	vshll.u32 v8, $0xA  }
0x2a: {  	[tilespmem:$0x120] =	vst v1;
	v1 =	vadd.s32 v9, v3;
	v0 =	vshrl.u32 v0, $0x7;
	v3 =	vshll.u32 v10, $0xA  }
0x2b: {  	[tilespmem:$0x130] =	vst v0;
	v0 =	vshrl.u32 v1, $0x7;
	v1 =	vadd.s32 v11, v3;
	v3 =	vshll.u32 v12, $0xA  }
0x2c: {  	[tilespmem:$0x140] =	vst v0;
	v0 =	vshrl.u32 v1, $0x7;
	v1 =	vadd.s32 v2, v3;
	v2 =	vshll.u32 v4, $0xA  }
0x2d: {  	[tilespmem:$0x150] =	vst v0;
	v0 =	vshrl.u32 v1, $0x7;
	v1 =	vadd.s32 v5, v2  }
0x2e: {  	[tilespmem:$0x160] =	vst v0;
	v0 =	vshrl.u32 v1, $0x7  }
0x2f: {  	[tilespmem:$0x170] =	vst v0  }
0x30: {  	[tilespmem:s13], [sflag:$0x1] =	stream.indirect.gather [hbm4b:s2+s12], $0x80, s24, s12, $0xb8;
	[tilespmem:$0x10180] =	vst v63  }
0x31: {  	_ =	swait.ge [sflag:s14], $0x4000  }
0x32: {  	[sflag:s14] =	ssyncset.done $0x0  }
0x33: {  	[sflag:s14] =	ssyncadd.s32 $0xFFFFC000  }
0x34: {  	[tilespmem:s15], [sflag:$0x1] =	stream.indirect.gather [hbm4b:s2+s12], $0x80, s12, s12, $0xb8;
	[tilespmem:$0x10180] =	vst v63  }
0x35: {  	_ =	swait.ge [sflag:s14], $0x4000  }
0x36: {  	[sflag:s14] =	ssyncset.done $0x0  }
0x37: {  	[sflag:s14] =	ssyncadd.s32 $0xFFFFC000  }
0x38: {  	[tilespmem:s17], [sflag:$0x1] =	stream.indirect.gather [hbm4b:s3+s12], $0x80, s16, s12, $0xb8;
	[tilespmem:$0x10180] =	vst v63  }
0x39: {  	_ =	swait.ge [sflag:s14], $0x4000  }
0x3a: {  	[sflag:s14] =	ssyncset.done $0x0  }
0x3b: {  	s22 =	simm.s32 $0x0;
	[sflag:s14] =	ssyncadd.s32 $0xFFFFC000  }
0x3c: {  	v2 =	vld [tilespmem:s22+$0x1B0]  }
0x3d: {  	v4 =	vld [tilespmem:s22+$0x41F0]  }
0x3e: {  	v5 =	vld [tilespmem:s22+$0x180]  }
0x3f: {  	v6 =	vld [tilespmem:s22+$0x41C0]  }
0x40: {  	v1 =	vld [tilespmem:s22+$0x190]  }
0x41: {  	v3 =	vld [tilespmem:s22+$0x41D0]  }
0x42: {  	v0 =	vld [tilespmem:s22+$0x1A0];
	v7 =	vadd.f32 v4, v2  }
0x43: {  	s23 =	simm.s32 $0x80;
	v4 =	vld [tilespmem:s22+$0x41E0]  }
0x44: {  	s24 =	simm.s32 $0x400;
	v2 =	vld [tilespmem:s23+$0x1B0];
	v5 =	vadd.f32 v6, v5;
	[tilespmem:s22+$0xC1B0] =	vst v7  }
.LBB2_3:
0x45: {  	p0 =	sne.s32 s24, $0xFE00;
	v6 =	vld [tilespmem:s23+$0x41F0]  }
0x46: {  	v7 =	vld [tilespmem:s23+$0x180];
	[tilespmem:s22+$0xC180] =	vst v5;
	v3 =	vadd.f32 v3, v1  }
0x47: {  	v5 =	vld [tilespmem:s23+$0x41C0]  }
.Ltmp0:
0x48: {  	v1 =	vld [tilespmem:s23+$0x190];
	[tilespmem:s22+$0xC190] =	vst v3;
	v4 =	vadd.f32 v4, v0;
	(pc) =	sbr.rel @p0 .LBB2_3-.Ltmp0, $4  }
0x49: {  	v3 =	vld [tilespmem:s23+$0x41D0]  }
0x4a: {  	v0 =	vld [tilespmem:s23+$0x1A0];
	v6 =	vadd.f32 v6, v2;
	[tilespmem:s22+$0xC1A0] =	vst v4;
	s22 =	smov.u32 s23  }
0x4b: {  	s23 =	sshra.s32 s24, $0x2;
	v4 =	vld [tilespmem:s22+$0x41E0]  }
0x4c: {  	s24 =	sadd.s32 $0x200, s24;
	v2 =	vld [tilespmem:s23+$0x1B0];
	v5 =	vadd.f32 v5, v7;
	[tilespmem:s22+$0xC1B0] =	vst v6  }
0x4d: {  	v6 =	vld [tilespmem:s23+$0x41F0]  }
0x4e: {  	v7 =	vld [tilespmem:s23+$0x180];
	[tilespmem:s22+$0xC180] =	vst v5;
	v1 =	vadd.f32 v3, v1  }
0x4f: {  	v62 =	vld [tilespmem:s23+$0x41C0]  }
0x50: {  	v5 =	vld [tilespmem:s23+$0x190];
	[tilespmem:s22+$0xC190] =	vst v1;
	v0 =	vadd.f32 v4, v0  }
0x51: {  	v1 =	vld [tilespmem:s23+$0x41D0]  }
0x52: {  	v63 =	vld [tilespmem:s23+$0x1A0];
	[tilespmem:s22+$0xC1A0] =	vst v0  }
0x53: {  	v0 =	vld [tilespmem:s23+$0x41E0];
	_ =	sdelay $0x1  }
0x54: {  	v2 =	vadd.f32 v6, v2  }
0x55: {  	v3 =	vadd.f32 v62, v7  }
0x56: {  	[tilespmem:s23+$0xC1B0] =	vst v2;
	v1 =	vadd.f32 v1, v5  }
0x57: {  	[tilespmem:s23+$0xC180] =	vst v3;
	v0 =	vadd.f32 v0, v63  }
0x58: {  	s21 =	sshll.u32 s21, $0x4;
	[tilespmem:s23+$0xC190] =	vst v1  }
0x59: {  	s31 =	sadd.s32 s7, s21;
	[tilespmem:s23+$0xC1A0] =	vst v0  }
0x5a: {  	[hbm4b:s31+s1] =	stream.linear.scatter [tilespmem:s18], [sflag:$0x2], $0x4000, $0x38;
	[tilespmem:$0x10180] =	vst v63  }
0x5b: {  	s20 =	sadd.s32 $0x1, s20;
	_ =	swait.ge [sflag:s11], $0x4000  }
0x5c: {  	p0 =	sne.s32 s20, $0x8;
	[sflag:s11] =	ssyncset.done $0x0  }
.Ltmp1:
0x5d: {  	s21 =	sadd.s32 s8, s21;
	[sflag:s11] =	ssyncadd.s32 $0xFFFFC000;
	(pc) =	sbr.rel @p0 .LBB2_2-.Ltmp1, $4  }
0x5e: {  	[hbm4b:s21+s1] =	stream.linear.scatter [tilespmem:s17], [sflag:$0x2], $0x4000, $0x38;
	[tilespmem:$0x10180] =	vst v63  }
0x5f: {  	_ =	swait.ge [sflag:s11], $0x4000  }
0x60: {  	[sflag:s11] =	ssyncset.done $0x0  }
0x61: {  	[sflag:s11] =	ssyncadd.s32 $0xFFFFC000  }
0x62: {  	s19 =	sadd.s32 $0x1, s19  }
0x63: {  	p0 =	sne.s32 s19, s10  }
.Ltmp2:
0x64: {  	_ = 	snop;
	(pc) =	sbr.rel @p0 .LBB2_1-.Ltmp2, $1  }
0x65: {  	_ =	sdelay $0x3  }
0x66: {  	_ =	sfence.sel $0x180000  }
0x67: {  	[bflag:$0x0] =	sbarrier.arrive $0xFFFF  }
0x68: {  	p0 =	sne.s32 s4, $0x0;
	_ =	strace $0x90000047  }
0x69: {  	s0 =	sadd.s32 @!p0 $0x100000, s0;
	[bflag:$0x2] =	sbarrier.arrive $0xFFFF  }
0x6a: {  	[sflag:s0] =	ssyncadd.tile.s32 @!p0 $0x1;
	_ =	shalt  }
.Lfunc_end2:
_tile_overlayer_lowered:
.L_overlay_start_2:
0x6b: {  	(tag) =	ssettag $0x2  }
0x6c: {  	s0 =	rddreg [dreg:$0x0];
	s2 =	stileid.u32  }
0x6d: {  	s1 =	rddreg [dreg:$0x1];
	p0 =	sne.s32 s2, $0x0  }
0x6e: {  	s3 =	rddreg [dreg:$0x2];
	[bflag:$0x3] =	sbarrier.arrive $0xFFFF;
	s2 =	simm.s32 @!p0 $0x1C02  }
0x6f: {  	[timem:s3], [sflag:s2] =	dma.local @!p0 [hbm:s0], s1  }
0x70: {  	s0 =	simm.s32 @!p0 $0x2  }
0x71: {  	_ =	swait.ge @!p0 [sflag:s0], s1  }
0x72: {  	s1 =	ssub.s32 @!p0 $0x0, s1;
	[sflag:s0] =	ssyncset.done @!p0 $0x0  }
0x73: {  	[sflag:s0] =	ssyncadd.s32 @!p0 s1  }
0x74: {  	[bflag:$0x3] =	sbarrier.arrive $0xFFFF  }
0x75: {  	_ =	shalt  }

// kernel: sparse-core-data-format-call.cloned.1.call-start
scs
called_computation_lowered:
.L_overlay_start_0:
0x0: {  	s2 =	sld [smem:$0x3FD9]  }
0x1: {  	s3 =	sld [smem:$0x3FFE];
	_ =	sdelay $0x1  }
0x2: {  	s1 =	srdreg.scid  }
0x3: {  	s0 =	sand.u32 $0x1, s1  }
0x4: {  	s18 =	sshll.u32 s0, $0xA;
	s2 =	sadd.s32 s3, s2  }
0x5: {  	s2 =	sadd.s32 s2, s18  }
0x6: {  	[smem:$0x3FBB] =	sst s2  }
0x7: {  	_ = 	snop  }
0x8: {  	s19 =	sld [smem:$0x3FD0];
	(tm) =	ssettm $0x1  }
0x9: {  	s20 =	sld [smem:$0x3FFB];
	_ =	sdelay $0x3  }
0xa: {  	_ =	strace s20  }
0xb: {  	s2 =	sld [smem:$0x3FFC];
	_ =	sdelay $0x3  }
0xc: {  	_ =	strace s2  }
0xd: {  	s2 =	sld [smem:$0x3FFD];
	_ =	sdelay $0x3  }
0xe: {  	_ =	strace s2  }
0xf: {  	_ =	strace $0x8FFFFFFF  }
0x10: {  	s21 =	sld [smem:$0x3FDB];
	_ =	sdelay $0x1  }
0x11: {  	s4 =	simm.s32 $_scs_section_size  }
0x12: {  	s5 =	simm.s32 $_size__tile_overlayer_lowered;
	s6 =	simm.s32 $_tile_overlayer_lowered  }
0x13: {  	s7 =	simm.s32 $0x1BFF;
	s22 =	sshll.u32 s6, $0x1;
	s4 =	sadd.s32 s4, s21  }
0x14: {  	s23 =	simm.s32 $0x0;
	s5 =	sshll.u32 s5, $0x1;
	s6 =	sadd.s32 s22, s4  }
0x15: {  	[timem:s23], [sflag:s7] =	dma.local [hbm:s6], s5  }
0x16: {  	_ =	swait.ge [sflag:s7], s5  }
0x17: {  	s5 =	ssub.s32 $0x0, s5;
	[sflag:s7] =	ssyncset.done $0x0  }
0x18: {  	[sflag:s7] =	ssyncadd.s32 s5;
	_ =	sdelay $0x1  }
0x19: {  	s24 =	simm.s32 $0x1B8B  }
0x1a: {  	_ =	swait.ge [sflag:s24], $0x1  }
0x1b: {  	[sflag:s24] =	ssyncset.done $0x0  }
0x1c: {  	[sflag:s24] =	ssyncadd.s32 $0xFFFFFFFF  }
0x1d: {  	s5 =	sld [smem:$0x0]  }
0x1e: {  	s6 =	sand.u32 $0xFFFFFFFE, s1  }
0x1f: {  	p0 =	sne.s32 s1, s6  }
0x20: {  	s6 =	sshll.u32 @p0 s6, $0xE  }
0x21: {  	s6 =	sadd.s32 @p0 $0x11B8D, s6;
	s7 =	sshll.u32 @p0 s5, $0x11  }
0x22: {  	s6 =	sor.u32 @p0 s7, s6  }
0x23: {  	[sflag:s6] =	ssyncadd.remote.s32 @p0 $0x1;
	_ =	sdelay $0x1  }
0x24: {  	s6 =	simm.s32 @p0 $0x1B8D  }
0x25: {  	_ =	swait.eq @p0 [sflag:s6], $0x1  }
0x26: {  	[sflag:s6] =	ssyncadd.s32 @p0 $0xFFFFFFFF  }
0x27: {  	s7 =	sshll.u32 @!p0 s1, $0xE  }
0x28: {  	s7 =	sor.u32 @!p0 $0x4000, s7;
	s6 =	simm.s32 @!p0 $0x1B8D  }
0x29: {  	s5 =	sshll.u32 @!p0 s5, $0x11;
	s7 =	sadd.s32 @!p0 $0x11B8D, s7;
	_ =	swait.eq @!p0 [sflag:s6], $0x1  }
0x2a: {  	s5 =	sor.u32 @!p0 s5, s7;
	[sflag:s6] =	ssyncadd.s32 @!p0 $0xFFFFFFFF  }
0x2b: {  	s26 =	simm.s32 $0x1B8E;
	s25 =	sld [smem:$0x3FFE];
	[sflag:s5] =	ssyncadd.remote.s32 @!p0 $0x1  }
0x2c: {  	s27 =	simm.s32 $execute0_lowered;
	[smem:$0x3FD2] =	sst s26  }
0x2d: {  	s6 =	sshll.u32 s27, $0x1;
	_ =	strace $0x80000049;
	[dreg:$0x1] =	wrdreg $0xFFFFFFFF  }
0x2e: {  	s28 =	simm.s32 $_size_execute0_lowered;
	s4 =	sadd.s32 s4, s6;
	[dreg:$0x0] =	wrdreg $0x0  }
0x2f: {  	s6 =	sshll.u32 s28, $0x1;
	[dreg:$0x2] =	wrdreg s4  }
0x30: {  	[dreg:$0x3] =	wrdreg s6  }
0x31: {  	[dreg:$0x4] =	wrdreg $0xC0  }
0x32: {  	_ =	task [dreg:s23], $0x5FFFF  }
0x33: {  	[dreg:$0x1] =	wrdreg $0xFFFFFFFF  }
0x34: {  	[dreg:$0x0] =	wrdreg $0x60  }
0x35: {  	[dreg:$0x2] =	wrdreg s19  }
0x36: {  	[dreg:$0x3] =	wrdreg s25  }
0x37: {  	[dreg:$0x4] =	wrdreg $0x9  }
0x38: {  	_ =	task.clear_ibuf [dreg:s23], $0x5FFFF;
	_ =	strace $0x90000049  }
0x39: {  	s29 =	simm.s32 $0x9;
	_ =	strace $0x8000004B  }
0x3a: {  	_ =	swait.ge [sflag:s29], $0x1  }
0x3b: {  	[sflag:s29] =	ssyncadd.s32 $0xFFFFFFFF  }
0x3c: {  	_ =	strace $0x9000004B  }
0x3d: {  	_ =	sfence  }
0x3e: {  	s30 =	sld [smem:$0x0];
	_ =	sdelay $0x2  }
0x3f: {  	s31 =	sshll.u32 s1, $0xD;
	s1 =	sshrl.u32 s1, $0x2  }
0x40: {  	s4 =	sand.u32 $0x4000, s31;
	s1 =	sadd.s32 s1, s30  }
0x41: {  	s0 =	sor.u32 s4, s0;
	s1 =	sshll.u32 s1, $0x11  }
0x42: {  	s0 =	sor.u32 s1, s0  }
0x43: {  	s0 =	sadd.s32 $0x8F2B, s0  }
0x44: {  	[sflag:s0] =	ssyncadd.remote.s32 $0x1  }
0x45: {  	_ =	sfence.sel $0xFFFF  }
0x46: {  	[dreg:$0x0] =	wrdreg $0xFFFFFFFF;
	(pc) =	sbr.abs _section_cstart, $3  }
0x47: {  	[dreg:$0x1] =	wrdreg $0xFFFFFFFF  }
0x48: {  	_ =	task.clear_ibuf [dreg:s23], $0x2FFFF;
	_ =	strace $0x9FFFFFFF  }
0x49: {  	(tm) =	ssettm $0x7FFFFFFF  }
tec
execute0_lowered:
.L_overlay_start_1:
0x0: {  	(tag) =	ssettag $0x1  }
0x1: {  	s2 =	rddreg [dreg:$0x0]  }
0x2: {  	s1 =	rddreg [dreg:$0x1]  }
0x3: {  	s0 =	rddreg [dreg:$0x2];
	_ =	strace $0x8000004A;
	s4 =	srdreg.scid  }
0x4: {  	s6 =	simm.s32 $0x2;
	s11 =	simm.s32 $0x0;
	p0 =	por $0x0, $0x0  }
.Ltmp0:
0x5: {  	s7 =	simm.s32 $0x2000;
	s12 =	simm.s32 $0x0;
	(pc) =	sbr.rel .LBB1_1-.Ltmp0, $4  }
0x6: {  	s9 =	simm.s32 $0x0;
	s3 =	sadd.s32 $0x128E00, s1;
	s5 =	sshll.u32 s4, $0x4  }
0x7: {  	s1 =	stileid.u32;
	s4 =	simm.s32 $0x1;
	s5 =	sand.u32 $0x10, s5  }
0x8: {  	s8 =	simm.s32 $0x0;
	[sflag:s4] =	ssyncpa.u1 $0x0;
	s5 =	sor.u32 s1, s5  }
0x9: {  	[sflag:s6] =	ssyncpa.u1 $0x0;
	s6 =	simm.s32 $0x800;
	s10 =	smov.u32 s5  }
.LBB1_7:
0xa: {  	s13 =	sadd.s32 $0x10, s9  }
0xb: {  	s11 =	sadd.s32 $0x20, s10;
	s15 =	smov.u32 s10;
	p2 =	sgt.s32 s13, $0x3F  }
0xc: {  	p1 =	slt.u32 s8, $0x2;
	s15 =	smov.u32 @p2 s11  }
0xd: {  	s8 =	sadd.s32 $0x1, s8;
	s13 =	simm.s32 @p2 $0x0;
	p2 =	sgt.s32 s15, $0x3FF  }
0xe: {  	s15 =	smov.u32 @p2 s5;
	p2 =	sne.s32 s8, $0x82  }
.Ltmp1:
0xf: {  	_ = 	snop;
	(pc) =	sbr.rel @!p2 .LBB1_8-.Ltmp1, $4  }
0x10: {  	s14 =	simm.s32 @!p1 $0x2  }
0x11: {  	s12 =	smov.u32 s10;
	_ =	swait.ge @!p1 [sflag:s14], $0x4000  }
0x12: {  	p0 =	por !p0, !p0;
	s11 =	smov.u32 s9;
	[sflag:s14] =	ssyncset.done @!p1 $0x0  }
0x13: {  	s9 =	smov.u32 s13;
	[sflag:s14] =	ssyncadd.s32 @!p1 $0xFFFFC000;
	s10 =	smov.u32 s15  }
.LBB1_1:
0x14: {  	p1 =	sgt.u32 s8, $0x7F  }
0x15: {  	s13 =	sxor.u32 @!p1 $0xFFFFFFFF, s8;
	s14 =	sshll.u32 @!p1 s10, $0xD  }
0x16: {  	s15 =	sshll.u32 @!p1 s9, $0x7;
	s13 =	sshll.u32 @!p1 s13, $0xE;
	s14 =	sadd.s32 @!p1 s2, s14  }
0x17: {  	s13 =	sand.u32 @!p1 $0x4000, s13;
	s14 =	sadd.s32 @!p1 s15, s14;
	s15 =	simm.s32 @!p1 $0x0  }
0x18: {  	[tilespmem:s13], [sflag:$0x1] =	stream.linear.gather @!p1 [hbm4b:s14+s15], $0x4000, $0x38;
	[tilespmem:$0x10000] =	vst v63  }
0x19: {  	p1 =	seq.s32 s8, $0x0  }
0x1a: {  	p2 =	seq.s32 @!p1 s8, $0x81  }
0x1b: {  	p1 =	por p1, p2  }
.Ltmp2:
0x1c: {  	_ = 	snop;
	(pc) =	sbr.rel @p1 .LBB1_7-.Ltmp2, $1  }
0x1d: {  	_ =	sdelay $0x3  }
0x1e: {  	s13 =	simm.s32 $0x1;
	_ =	swait.ge [sflag:s4], $0x4000;
	s16 =	sshll.u32 s8, $0xE  }
0x1f: {  	s13 =	simm.s32 @!p0 $0x0;
	[sflag:s4] =	ssyncset.done $0x0;
	s31 =	sand.u32 $0x4000, s16  }
0x20: {  	s16 =	simm.s32 $0x0;
	s14 =	sshll.u32 s13, $0xE;
	[sflag:s4] =	ssyncadd.s32 $0xFFFFC000  }
0x21: {  	s13 =	sor.u32 $0x8040, s14;
	s15 =	sor.u32 $0x40, s14;
	s14 =	sor.u32 $0x8000, s31  }
.LBB1_3:
0x22: {  	v0 =	vmov s15;
	_ =	sdelay $0x3  }
0x23: {  	s18 =	simm.s32 $0x0  }
0x24: {  	v6 =	vld.idx.msk [tilespmem:v0+s18+$0x30 ss:$0x1], $0xffff  }
0x25: {  	v7 =	vld.idx.msk [tilespmem:v0+s18+$0xFFFFFFC0 ss:$0x1], $0xffff  }
0x26: {  	v5 =	vld.idx.msk [tilespmem:v0+s18+$0xFFFFFFD0 ss:$0x1], $0xffff  }
0x27: {  	v4 =	vld.idx.msk [tilespmem:v0+s18+$0xFFFFFFE0 ss:$0x1], $0xffff  }
0x28: {  	v3 =	vld.idx.msk [tilespmem:v0+s18+$0xFFFFFFF0 ss:$0x1], $0xffff  }
0x29: {  	v1 =	vld.idx.msk [tilespmem:v0+s18+$0x0 ss:$0x1], $0xffff  }
0x2a: {  	v2 =	vld.idx.msk [tilespmem:v0+s18+$0x10 ss:$0x1], $0xffff;
	[tilespmem:s13+$0x30] =	vst v6  }
0x2b: {  	s17 =	simm.s32 $0x80;
	s19 =	simm.s32 $0x400;
	[tilespmem:s13+$0xFFFFFFC0] =	vst v7;
	v6 =	vld.idx.msk [tilespmem:v0+s18+$0x20 ss:$0x1], $0xffff;
	s18 =	smov.u32 s13  }
.LBB1_4:
0x2c: {  	p1 =	sne.s32 s19, $0xE00;
	v7 =	vld.idx.msk [tilespmem:v0+s17+$0x30 ss:$0x1], $0xffff;
	[tilespmem:s18+$0xFFFFFFD0] =	vst v5  }
0x2d: {  	v8 =	vld.idx.msk [tilespmem:v0+s17+$0xFFFFFFC0 ss:$0x1], $0xffff;
	[tilespmem:s18+$0xFFFFFFE0] =	vst v4  }
0x2e: {  	v5 =	vld.idx.msk [tilespmem:v0+s17+$0xFFFFFFD0 ss:$0x1], $0xffff;
	[tilespmem:s18+$0xFFFFFFF0] =	vst v3  }
.Ltmp3:
0x2f: {  	v4 =	vld.idx.msk [tilespmem:v0+s17+$0xFFFFFFE0 ss:$0x1], $0xffff;
	[tilespmem:s18+$0x0] =	vst v1;
	(pc) =	sbr.rel @p1 .LBB1_4-.Ltmp3, $4  }
0x30: {  	v3 =	vld.idx.msk [tilespmem:v0+s17+$0xFFFFFFF0 ss:$0x1], $0xffff;
	[tilespmem:s18+$0x10] =	vst v2  }
0x31: {  	v1 =	vld.idx.msk [tilespmem:v0+s17+$0x0 ss:$0x1], $0xffff;
	[tilespmem:s18+$0x20] =	vst v6;
	s18 =	sadd.s32 $0x800, s18  }
0x32: {  	v2 =	vld.idx.msk [tilespmem:v0+s17+$0x10 ss:$0x1], $0xffff;
	[tilespmem:s18+$0x30] =	vst v7  }
0x33: {  	[tilespmem:s18+$0xFFFFFFC0] =	vst v8;
	v6 =	vld.idx.msk [tilespmem:v0+s17+$0x20 ss:$0x1], $0xffff;
	s17 =	sshra.s32 s19, $0x2;
	s19 =	sadd.s32 $0x200, s19  }
0x34: {  	_ =	sdelay $0x2  }
0x35: {  	[tilespmem:s18+$0xFFFFFFD0] =	vst v5  }
0x36: {  	v56 =	vld.idx.msk [tilespmem:v0+s17+$0x30 ss:$0x1], $0xffff;
	[tilespmem:s18+$0xFFFFFFE0] =	vst v4  }
0x37: {  	v57 =	vld.idx.msk [tilespmem:v0+s17+$0xFFFFFFC0 ss:$0x1], $0xffff;
	[tilespmem:s18+$0xFFFFFFF0] =	vst v3  }
0x38: {  	v58 =	vld.idx.msk [tilespmem:v0+s17+$0xFFFFFFD0 ss:$0x1], $0xffff;
	[tilespmem:s18+$0x0] =	vst v1  }
0x39: {  	v59 =	vld.idx.msk [tilespmem:v0+s17+$0xFFFFFFE0 ss:$0x1], $0xffff;
	[tilespmem:s18+$0x10] =	vst v2  }
0x3a: {  	v60 =	vld.idx.msk [tilespmem:v0+s17+$0xFFFFFFF0 ss:$0x1], $0xffff;
	s31 =	sadd.s32 $0x800, s18;
	[tilespmem:s18+$0x20] =	vst v6  }
0x3b: {  	v61 =	vld.idx.msk [tilespmem:v0+s17+$0x0 ss:$0x1], $0xffff;
	[tilespmem:s31+$0x30] =	vst v56  }
0x3c: {  	v62 =	vld.idx.msk [tilespmem:v0+s17+$0x10 ss:$0x1], $0xffff;
	s16 =	sadd.s32 $0x1, s16;
	[tilespmem:s31+$0xFFFFFFC0] =	vst v57  }
0x3d: {  	v63 =	vld.idx.msk [tilespmem:v0+s17+$0x20 ss:$0x1], $0xffff;
	p1 =	sne.s32 s16, $0x10;
	[tilespmem:s31+$0xFFFFFFD0] =	vst v58  }
.Ltmp4:
0x3e: {  	[tilespmem:s31+$0xFFFFFFE0] =	vst v59;
	(pc) =	sbr.rel @p1 .LBB1_3-.Ltmp4, $4  }
0x3f: {  	[tilespmem:s31+$0xFFFFFFF0] =	vst v60  }
0x40: {  	[tilespmem:s31+$0x0] =	vst v61  }
0x41: {  	[tilespmem:s31+$0x10] =	vst v62  }
0x42: {  	s13 =	sadd.s32 $0x80, s13;
	s15 =	sadd.s32 $0x400, s15;
	[tilespmem:s31+$0x20] =	vst v63  }
.Ltmp5:
0x43: {  	(pc) =	sbr.rel .LBB1_7-.Ltmp5, $4  }
0x44: {  	s12 =	sshll.u32 s12, $0xD;
	s11 =	sshll.u32 s11, $0x4  }
0x45: {  	s11 =	sand.u32 $0x3F0, s11;
	s12 =	sadd.s32 s3, s12  }
0x46: {  	s11 =	sadd.s32 s11, s12  }
0x47: {  	[hbm4b:s11+s6] =	stream.strided.scatter [tilespmem:s14], [sflag:$0x2], $0x4000, s7, s6, $0x38;
	[tilespmem:$0x10000] =	vst v63  }
.LBB1_8:
0x48: {  	_ =	sfence.sel $0x180000  }
0x49: {  	s2 =	simm.s32 $0x1;
	[bflag:$0x0] =	sbarrier.arrive $0xFFFF  }
0x4a: {  	s31 =	simm.s32 $0x2;
	[sflag:s2] =	ssyncpa.u1 $0x1  }
0x4b: {  	[sflag:s31] =	ssyncpa.u1 $0x1  }
0x4c: {  	p0 =	sne.s32 s1, $0x0;
	_ =	strace $0x9000004A  }
0x4d: {  	s0 =	sadd.s32 @!p0 $0x100000, s0;
	[bflag:$0x2] =	sbarrier.arrive $0xFFFF  }
0x4e: {  	[sflag:s0] =	ssyncadd.tile.s32 @!p0 $0x1;
	_ =	shalt  }
.Lfunc_end1:
_tile_overlayer_lowered:
.L_overlay_start_2:
0x4f: {  	(tag) =	ssettag $0x2  }
0x50: {  	s0 =	rddreg [dreg:$0x0];
	s2 =	stileid.u32  }
0x51: {  	s1 =	rddreg [dreg:$0x1];
	p0 =	sne.s32 s2, $0x0  }
0x52: {  	s3 =	rddreg [dreg:$0x2];
	[bflag:$0x3] =	sbarrier.arrive $0xFFFF;
	s2 =	simm.s32 @!p0 $0x1C01  }
0x53: {  	[timem:s3], [sflag:s2] =	dma.local @!p0 [hbm:s0], s1  }
0x54: {  	s0 =	simm.s32 @!p0 $0x1  }
0x55: {  	_ =	swait.ge @!p0 [sflag:s0], s1  }
0x56: {  	s1 =	ssub.s32 @!p0 $0x0, s1;
	[sflag:s0] =	ssyncset.done @!p0 $0x0  }
0x57: {  	[sflag:s0] =	ssyncadd.s32 @!p0 s1  }
0x58: {  	[bflag:$0x3] =	sbarrier.arrive $0xFFFF  }
0x59: {  	_ =	shalt  }

</sc_bundles>
